<compile_context>
chip_gen: v7x
topology: tpu7x:2x2x1
jax: 0.10.2.dev20260603
libtpu: 0.0.44.dev20260713+nightly
codegen_flags: <defaults>
</compile_context>

<pallas_src>
import functools

import jax
import jax.numpy as jnp
from jax import lax
from jax.experimental import pallas as pl
from jax.experimental.pallas import tpu as pltpu
from jax.experimental.pallas import tpu_sc as plsc

_CHUNK = 128
_NBUF = 8


@functools.lru_cache(maxsize=None)
def _make_gather(V, D, B):
    info = plsc.get_sparse_core_info()
    NC, NS = info.num_cores, info.num_subcores
    NW = NC * NS
    assert B % (NW * _CHUNK) == 0
    b_per_w = B // NW
    n_ch = b_per_w // _CHUNK
    assert n_ch % _NBUF == 0
    n_groups = n_ch // _NBUF

    mesh = plsc.VectorSubcoreMesh(core_axis_name="c", subcore_axis_name="s")

    rows_scratch = [pltpu.VMEM((_CHUNK, D), jnp.float32) for _ in range(_NBUF)]
    sem_scratch = [pltpu.SemaphoreType.DMA for _ in range(2 * _NBUF)]

    @functools.partial(
        pl.kernel,
        mesh=mesh,
        compiler_params=pltpu.CompilerParams(use_tc_tiling_on_sc=False),
        out_type=jax.ShapeDtypeStruct((B, D), jnp.float32),
        scratch_types=[pltpu.VMEM((n_ch, _CHUNK), jnp.int32)]
        + rows_scratch
        + sem_scratch,
    )
    def gather_kernel(table_hbm, idx_hbm, out_hbm, idx_slab, *bufs):
        rows = bufs[:_NBUF]
        sem_g = bufs[_NBUF : 2 * _NBUF]
        sem_s = bufs[2 * _NBUF :]
        wid = lax.axis_index("s") * NC + lax.axis_index("c")
        base = wid * b_per_w

        pltpu.sync_copy(idx_hbm.at[pl.ds(wid * n_ch, n_ch)], idx_slab)

        def gather_start(g, b):
            pltpu.async_copy(table_hbm.at[idx_slab.at[g]], rows[b], sem_g[b])

        def gather_wait(g, b):
            pltpu.make_async_copy(
                table_hbm.at[idx_slab.at[g]], rows[b], sem_g[b]
            ).wait()

        def store_start(g, b):
            pltpu.async_copy(
                rows[b], out_hbm.at[pl.ds(base + g * _CHUNK, _CHUNK)], sem_s[b]
            )

        def store_wait(g, b):
            pltpu.make_async_copy(
                rows[b], out_hbm.at[pl.ds(base + g * _CHUNK, _CHUNK)], sem_s[b]
            ).wait()

        for b in range(_NBUF):
            gather_start(b, b)

        def group_body(gg, carry):
            g0 = gg * _NBUF
            for b in range(_NBUF):
                gather_wait(g0 + b, b)
                store_start(g0 + b, b)
            for b in range(_NBUF):
                store_wait(g0 + b, b)
                gather_start(g0 + _NBUF + b, b)
            return carry

        lax.fori_loop(0, n_groups - 1, group_body, 0)

        g0 = (n_groups - 1) * _NBUF
        for b in range(_NBUF):
            gather_wait(g0 + b, b)
            store_start(g0 + b, b)
        for b in range(_NBUF):
            store_wait(g0 + b, b)

    return gather_kernel


def kernel(x, weight):
    Bt, H = x.shape
    V, D = weight.shape
    B = Bt * H
    xf = x.reshape(B // _CHUNK, _CHUNK).astype(jnp.int32)
    out = _make_gather(V, D, B)(weight, xf)
    return out.reshape(Bt, H, D)

# --- scband reference (transcript-rebuilt; emitter-appended) ---
"""Pipeline reference for scband-embedding-12103217840535 (READ-ONLY COPY).

The authoritative reference and input builder live on the scoring server;
editing this copy changes nothing except your own understanding.
"""

import jax, jax.numpy as jnp
import numpy as np

VOCAB = 1000000
DIM = 64
BATCH = 4096
HIST = 200

def setup_inputs(seed: int = 0) -> dict:
    key = jax.random.key(seed)
    k1, k2 = jax.random.split(key)
    x = jax.random.randint(k1, (BATCH, HIST), 0, VOCAB, dtype=jnp.int64 if jax.config.jax_enable_x64 else jnp.int32)
    weight = jax.random.normal(k2, (VOCAB, DIM), dtype=jnp.float32) * 0.02
    return {"x": x, "weight": weight}

def reference(x, weight):
    # F.embedding(x, weight) -> gather rows of weight by index
    y = jnp.take(weight, x, axis=0)
    return y

if __name__ == "__main__":
    import jax
    _d = setup_inputs()
    print(jax.jit(kernel)(*tuple(_d.values())))

</pallas_src>

<mosaic_0001>
#map = affine_map<(d0, d1) -> (0, 0)>
module attributes {stable_mosaic.version = 14 : i64} {
  func.func @gather_kernel(%arg0: i32, %arg1: i32, %arg2: memref<1000000x64xf32, #tpu.memory_space<hbm>>, %arg3: memref<6400x128xi32, #tpu.memory_space<hbm>>, %arg4: memref<819200x64xf32, #tpu.memory_space<hbm>>, %arg5: memref<200x128xi32, #tpu.memory_space<vmem>>, %arg6: memref<128x64xf32, #tpu.memory_space<vmem>>, %arg7: memref<128x64xf32, #tpu.memory_space<vmem>>, %arg8: memref<128x64xf32, #tpu.memory_space<vmem>>, %arg9: memref<128x64xf32, #tpu.memory_space<vmem>>, %arg10: memref<128x64xf32, #tpu.memory_space<vmem>>, %arg11: memref<128x64xf32, #tpu.memory_space<vmem>>, %arg12: memref<128x64xf32, #tpu.memory_space<vmem>>, %arg13: memref<128x64xf32, #tpu.memory_space<vmem>>, %arg14: memref<!tpu.dma_semaphore, #tpu.memory_space<semaphore_mem>>, %arg15: memref<!tpu.dma_semaphore, #tpu.memory_space<semaphore_mem>>, %arg16: memref<!tpu.dma_semaphore, #tpu.memory_space<semaphore_mem>>, %arg17: memref<!tpu.dma_semaphore, #tpu.memory_space<semaphore_mem>>, %arg18: memref<!tpu.dma_semaphore, #tpu.memory_space<semaphore_mem>>, %arg19: memref<!tpu.dma_semaphore, #tpu.memory_space<semaphore_mem>>, %arg20: memref<!tpu.dma_semaphore, #tpu.memory_space<semaphore_mem>>, %arg21: memref<!tpu.dma_semaphore, #tpu.memory_space<semaphore_mem>>, %arg22: memref<!tpu.dma_semaphore, #tpu.memory_space<semaphore_mem>>, %arg23: memref<!tpu.dma_semaphore, #tpu.memory_space<semaphore_mem>>, %arg24: memref<!tpu.dma_semaphore, #tpu.memory_space<semaphore_mem>>, %arg25: memref<!tpu.dma_semaphore, #tpu.memory_space<semaphore_mem>>, %arg26: memref<!tpu.dma_semaphore, #tpu.memory_space<semaphore_mem>>, %arg27: memref<!tpu.dma_semaphore, #tpu.memory_space<semaphore_mem>>, %arg28: memref<!tpu.dma_semaphore, #tpu.memory_space<semaphore_mem>>, %arg29: memref<!tpu.dma_semaphore, #tpu.memory_space<semaphore_mem>>) attributes {dimension_semantics = [#tpu.dimension_semantics<core_parallel>, #tpu.dimension_semantics<subcore_parallel>], iteration_bounds = array<i64: 2, 16>, scalar_prefetch = 0 : i64, scratch_operands = 25 : i64, tpu.core_type = #tpu.core_type<sc_vector_subcore>, window_params = [{transform_indices = #map}, {transform_indices = #map}, {transform_indices = #map}]} {
    %mul3A = arith.constant 2 : i32
    %mul3A_0 = arith.muli %arg1, %mul3A : i32
    %add3A = arith.addi %mul3A_0, %arg0 : i32
    %mul3A_1 = arith.constant 25600 : i32
    %mul3A_2 = arith.muli %add3A, %mul3A_1 : i32
    %mul3A_3 = arith.constant 200 : i32
    %mul3A_4 = arith.muli %add3A, %mul3A_3 : i32
    "tpu.region"() ({
      %run_scoped3A = tpu.sem_alloc : memref<!tpu.dma_semaphore, #tpu.memory_space<semaphore_mem>>
      %dma_start3A_216 = arith.constant 0 : i32
      %dma_start3A_217 = tpu.memref_slice %arg3[%mul3A_4, %dma_start3A_216] : memref<6400x128xi32, #tpu.memory_space<hbm>> -> memref<200x128xi32, #tpu.memory_space<hbm>>
      %dma_start3A_218 = arith.constant 0 : i32
      %dma_start3A_219 = tpu.memref_slice %arg3[%mul3A_4, %dma_start3A_218] : memref<6400x128xi32, #tpu.memory_space<hbm>> -> memref<200x128xi32, #tpu.memory_space<hbm>>
      tpu.enqueue_dma source(%dma_start3A_219 : memref<200x128xi32, #tpu.memory_space<hbm>>) target(%arg5 : memref<200x128xi32, #tpu.memory_space<vmem>>) target_semaphore(%run_scoped3A : memref<!tpu.dma_semaphore, #tpu.memory_space<semaphore_mem>>)
      %dma_wait3A_220 = arith.constant 0 : i32
      %dma_wait3A_221 = tpu.memref_slice %arg3[%mul3A_4, %dma_wait3A_220] : memref<6400x128xi32, #tpu.memory_space<hbm>> -> memref<200x128xi32, #tpu.memory_space<hbm>>
      %dma_wait3A_222 = arith.constant 0 : i32
      %dma_wait3A_223 = tpu.memref_slice %arg3[%mul3A_4, %dma_wait3A_222] : memref<6400x128xi32, #tpu.memory_space<hbm>> -> memref<200x128xi32, #tpu.memory_space<hbm>>
      tpu.wait_dma2 semaphore(%run_scoped3A : memref<!tpu.dma_semaphore, #tpu.memory_space<semaphore_mem>>) src(%dma_wait3A_223 : memref<200x128xi32, #tpu.memory_space<hbm>>) dst(%arg5 : memref<200x128xi32, #tpu.memory_space<vmem>>)
      tpu.yield
    }) : () -> ()
    %dma_start3A = arith.constant 0 : i32
    %dma_start3A_5 = arith.constant 0 : i32
    %dma_start3A_6 = tpu.memref_slice %arg5[%dma_start3A, %dma_start3A_5] : memref<200x128xi32, #tpu.memory_space<vmem>> -> memref<1x128xi32, #tpu.memory_space<vmem>>
    %dma_start3A_7 = tpu.memref_squeeze %dma_start3A_6 : memref<1x128xi32, #tpu.memory_space<vmem>> -> memref<128xi32, #tpu.memory_space<vmem>>
    %dma_start3A_8 = arith.constant 0 : i32
    %dma_start3A_9 = arith.constant 0 : i32
    %dma_start3A_10 = tpu.memref_slice %arg2[%dma_start3A_8, %dma_start3A_9] : memref<1000000x64xf32, #tpu.memory_space<hbm>> -> memref<1000000x64xf32, #tpu.memory_space<hbm>>
    tpu.enqueue_indirect_dma source(%dma_start3A_10 : memref<1000000x64xf32, #tpu.memory_space<hbm>>) target(%arg6 : memref<128x64xf32, #tpu.memory_space<vmem>>) offsets(%dma_start3A_7 : memref<128xi32, #tpu.memory_space<vmem>>) semaphore(%arg14 : memref<!tpu.dma_semaphore, #tpu.memory_space<semaphore_mem>>)
    %dma_start3A_11 = arith.constant 1 : i32
    %dma_start3A_12 = arith.constant 0 : i32
    %dma_start3A_13 = tpu.memref_slice %arg5[%dma_start3A_11, %dma_start3A_12] : memref<200x128xi32, #tpu.memory_space<vmem>> -> memref<1x128xi32, #tpu.memory_space<vmem>>
    %dma_start3A_14 = tpu.memref_squeeze %dma_start3A_13 : memref<1x128xi32, #tpu.memory_space<vmem>> -> memref<128xi32, #tpu.memory_space<vmem>>
    %dma_start3A_15 = arith.constant 0 : i32
    %dma_start3A_16 = arith.constant 0 : i32
    %dma_start3A_17 = tpu.memref_slice %arg2[%dma_start3A_15, %dma_start3A_16] : memref<1000000x64xf32, #tpu.memory_space<hbm>> -> memref<1000000x64xf32, #tpu.memory_space<hbm>>
    tpu.enqueue_indirect_dma source(%dma_start3A_17 : memref<1000000x64xf32, #tpu.memory_space<hbm>>) target(%arg7 : memref<128x64xf32, #tpu.memory_space<vmem>>) offsets(%dma_start3A_14 : memref<128xi32, #tpu.memory_space<vmem>>) semaphore(%arg15 : memref<!tpu.dma_semaphore, #tpu.memory_space<semaphore_mem>>)
    %dma_start3A_18 = arith.constant 2 : i32
    %dma_start3A_19 = arith.constant 0 : i32
    %dma_start3A_20 = tpu.memref_slice %arg5[%dma_start3A_18, %dma_start3A_19] : memref<200x128xi32, #tpu.memory_space<vmem>> -> memref<1x128xi32, #tpu.memory_space<vmem>>
    %dma_start3A_21 = tpu.memref_squeeze %dma_start3A_20 : memref<1x128xi32, #tpu.memory_space<vmem>> -> memref<128xi32, #tpu.memory_space<vmem>>
    %dma_start3A_22 = arith.constant 0 : i32
    %dma_start3A_23 = arith.constant 0 : i32
    %dma_start3A_24 = tpu.memref_slice %arg2[%dma_start3A_22, %dma_start3A_23] : memref<1000000x64xf32, #tpu.memory_space<hbm>> -> memref<1000000x64xf32, #tpu.memory_space<hbm>>
    tpu.enqueue_indirect_dma source(%dma_start3A_24 : memref<1000000x64xf32, #tpu.memory_space<hbm>>) target(%arg8 : memref<128x64xf32, #tpu.memory_space<vmem>>) offsets(%dma_start3A_21 : memref<128xi32, #tpu.memory_space<vmem>>) semaphore(%arg16 : memref<!tpu.dma_semaphore, #tpu.memory_space<semaphore_mem>>)
    %dma_start3A_25 = arith.constant 3 : i32
    %dma_start3A_26 = arith.constant 0 : i32
    %dma_start3A_27 = tpu.memref_slice %arg5[%dma_start3A_25, %dma_start3A_26] : memref<200x128xi32, #tpu.memory_space<vmem>> -> memref<1x128xi32, #tpu.memory_space<vmem>>
    %dma_start3A_28 = tpu.memref_squeeze %dma_start3A_27 : memref<1x128xi32, #tpu.memory_space<vmem>> -> memref<128xi32, #tpu.memory_space<vmem>>
    %dma_start3A_29 = arith.constant 0 : i32
    %dma_start3A_30 = arith.constant 0 : i32
    %dma_start3A_31 = tpu.memref_slice %arg2[%dma_start3A_29, %dma_start3A_30] : memref<1000000x64xf32, #tpu.memory_space<hbm>> -> memref<1000000x64xf32, #tpu.memory_space<hbm>>
    tpu.enqueue_indirect_dma source(%dma_start3A_31 : memref<1000000x64xf32, #tpu.memory_space<hbm>>) target(%arg9 : memref<128x64xf32, #tpu.memory_space<vmem>>) offsets(%dma_start3A_28 : memref<128xi32, #tpu.memory_space<vmem>>) semaphore(%arg17 : memref<!tpu.dma_semaphore, #tpu.memory_space<semaphore_mem>>)
    %dma_start3A_32 = arith.constant 4 : i32
    %dma_start3A_33 = arith.constant 0 : i32
    %dma_start3A_34 = tpu.memref_slice %arg5[%dma_start3A_32, %dma_start3A_33] : memref<200x128xi32, #tpu.memory_space<vmem>> -> memref<1x128xi32, #tpu.memory_space<vmem>>
    %dma_start3A_35 = tpu.memref_squeeze %dma_start3A_34 : memref<1x128xi32, #tpu.memory_space<vmem>> -> memref<128xi32, #tpu.memory_space<vmem>>
    %dma_start3A_36 = arith.constant 0 : i32
    %dma_start3A_37 = arith.constant 0 : i32
    %dma_start3A_38 = tpu.memref_slice %arg2[%dma_start3A_36, %dma_start3A_37] : memref<1000000x64xf32, #tpu.memory_space<hbm>> -> memref<1000000x64xf32, #tpu.memory_space<hbm>>
    tpu.enqueue_indirect_dma source(%dma_start3A_38 : memref<1000000x64xf32, #tpu.memory_space<hbm>>) target(%arg10 : memref<128x64xf32, #tpu.memory_space<vmem>>) offsets(%dma_start3A_35 : memref<128xi32, #tpu.memory_space<vmem>>) semaphore(%arg18 : memref<!tpu.dma_semaphore, #tpu.memory_space<semaphore_mem>>)
    %dma_start3A_39 = arith.constant 5 : i32
    %dma_start3A_40 = arith.constant 0 : i32
    %dma_start3A_41 = tpu.memref_slice %arg5[%dma_start3A_39, %dma_start3A_40] : memref<200x128xi32, #tpu.memory_space<vmem>> -> memref<1x128xi32, #tpu.memory_space<vmem>>
    %dma_start3A_42 = tpu.memref_squeeze %dma_start3A_41 : memref<1x128xi32, #tpu.memory_space<vmem>> -> memref<128xi32, #tpu.memory_space<vmem>>
    %dma_start3A_43 = arith.constant 0 : i32
    %dma_start3A_44 = arith.constant 0 : i32
    %dma_start3A_45 = tpu.memref_slice %arg2[%dma_start3A_43, %dma_start3A_44] : memref<1000000x64xf32, #tpu.memory_space<hbm>> -> memref<1000000x64xf32, #tpu.memory_space<hbm>>
    tpu.enqueue_indirect_dma source(%dma_start3A_45 : memref<1000000x64xf32, #tpu.memory_space<hbm>>) target(%arg11 : memref<128x64xf32, #tpu.memory_space<vmem>>) offsets(%dma_start3A_42 : memref<128xi32, #tpu.memory_space<vmem>>) semaphore(%arg19 : memref<!tpu.dma_semaphore, #tpu.memory_space<semaphore_mem>>)
    %dma_start3A_46 = arith.constant 6 : i32
    %dma_start3A_47 = arith.constant 0 : i32
    %dma_start3A_48 = tpu.memref_slice %arg5[%dma_start3A_46, %dma_start3A_47] : memref<200x128xi32, #tpu.memory_space<vmem>> -> memref<1x128xi32, #tpu.memory_space<vmem>>
    %dma_start3A_49 = tpu.memref_squeeze %dma_start3A_48 : memref<1x128xi32, #tpu.memory_space<vmem>> -> memref<128xi32, #tpu.memory_space<vmem>>
    %dma_start3A_50 = arith.constant 0 : i32
    %dma_start3A_51 = arith.constant 0 : i32
    %dma_start3A_52 = tpu.memref_slice %arg2[%dma_start3A_50, %dma_start3A_51] : memref<1000000x64xf32, #tpu.memory_space<hbm>> -> memref<1000000x64xf32, #tpu.memory_space<hbm>>
    tpu.enqueue_indirect_dma source(%dma_start3A_52 : memref<1000000x64xf32, #tpu.memory_space<hbm>>) target(%arg12 : memref<128x64xf32, #tpu.memory_space<vmem>>) offsets(%dma_start3A_49 : memref<128xi32, #tpu.memory_space<vmem>>) semaphore(%arg20 : memref<!tpu.dma_semaphore, #tpu.memory_space<semaphore_mem>>)
    %dma_start3A_53 = arith.constant 7 : i32
    %dma_start3A_54 = arith.constant 0 : i32
    %dma_start3A_55 = tpu.memref_slice %arg5[%dma_start3A_53, %dma_start3A_54] : memref<200x128xi32, #tpu.memory_space<vmem>> -> memref<1x128xi32, #tpu.memory_space<vmem>>
    %dma_start3A_56 = tpu.memref_squeeze %dma_start3A_55 : memref<1x128xi32, #tpu.memory_space<vmem>> -> memref<128xi32, #tpu.memory_space<vmem>>
    %dma_start3A_57 = arith.constant 0 : i32
    %dma_start3A_58 = arith.constant 0 : i32
    %dma_start3A_59 = tpu.memref_slice %arg2[%dma_start3A_57, %dma_start3A_58] : memref<1000000x64xf32, #tpu.memory_space<hbm>> -> memref<1000000x64xf32, #tpu.memory_space<hbm>>
    tpu.enqueue_indirect_dma source(%dma_start3A_59 : memref<1000000x64xf32, #tpu.memory_space<hbm>>) target(%arg13 : memref<128x64xf32, #tpu.memory_space<vmem>>) offsets(%dma_start3A_56 : memref<128xi32, #tpu.memory_space<vmem>>) semaphore(%arg21 : memref<!tpu.dma_semaphore, #tpu.memory_space<semaphore_mem>>)
    %scan3A = arith.constant 0 : i32
    %scan3A_60 = arith.constant 0 : i32
    %scan3A_61 = arith.constant 24 : i32
    %scan3A_62 = arith.addi %scan3A_60, %scan3A_61 : i32
    %scan3A_63 = arith.constant 1 : i32
    scf.for %scan3A_216 = %scan3A_60 to %scan3A_62 step %scan3A_63  : i32 {
      %mul3A_217 = arith.constant 8 : i32
      %mul3A_218 = arith.muli %scan3A_216, %mul3A_217 : i32
      %add3A_219 = arith.constant 0 : i32
      %add3A_220 = arith.addi %mul3A_218, %add3A_219 : i32
      %dma_wait3A_221 = arith.constant 0 : i32
      %dma_wait3A_222 = tpu.memref_slice %arg5[%add3A_220, %dma_wait3A_221] : memref<200x128xi32, #tpu.memory_space<vmem>> -> memref<1x128xi32, #tpu.memory_space<vmem>>
      %dma_wait3A_223 = tpu.memref_squeeze %dma_wait3A_222 : memref<1x128xi32, #tpu.memory_space<vmem>> -> memref<128xi32, #tpu.memory_space<vmem>>
      %dma_wait3A_224 = arith.constant 0 : i32
      %dma_wait3A_225 = arith.constant 0 : i32
      %dma_wait3A_226 = tpu.memref_slice %arg2[%dma_wait3A_224, %dma_wait3A_225] : memref<1000000x64xf32, #tpu.memory_space<hbm>> -> memref<1000000x64xf32, #tpu.memory_space<hbm>>
      tpu.wait_indirect_dma semaphore(%arg14 : memref<!tpu.dma_semaphore, #tpu.memory_space<semaphore_mem>>) src(%dma_wait3A_226 : memref<1000000x64xf32, #tpu.memory_space<hbm>>) dst(%arg6 : memref<128x64xf32, #tpu.memory_space<vmem>>)
      %add3A_227 = arith.constant 0 : i32
      %add3A_228 = arith.addi %mul3A_218, %add3A_227 : i32
      %mul3A_229 = arith.constant 128 : i32
      %mul3A_230 = arith.muli %add3A_228, %mul3A_229 : i32
      %add3A_231 = arith.addi %mul3A_2, %mul3A_230 : i32
      %dma_start3A_232 = arith.constant 0 : i32
      %dma_start3A_233 = tpu.memref_slice %arg4[%add3A_231, %dma_start3A_232] : memref<819200x64xf32, #tpu.memory_space<hbm>> -> memref<128x64xf32, #tpu.memory_space<hbm>>
      %dma_start3A_234 = arith.constant 0 : i32
      %dma_start3A_235 = tpu.memref_slice %arg4[%add3A_231, %dma_start3A_234] : memref<819200x64xf32, #tpu.memory_space<hbm>> -> memref<128x64xf32, #tpu.memory_space<hbm>>
      tpu.enqueue_dma source(%arg6 : memref<128x64xf32, #tpu.memory_space<vmem>>) target(%dma_start3A_235 : memref<128x64xf32, #tpu.memory_space<hbm>>) target_semaphore(%arg22 : memref<!tpu.dma_semaphore, #tpu.memory_space<semaphore_mem>>)
      %add3A_236 = arith.constant 1 : i32
      %add3A_237 = arith.addi %mul3A_218, %add3A_236 : i32
      %dma_wait3A_238 = arith.constant 0 : i32
      %dma_wait3A_239 = tpu.memref_slice %arg5[%add3A_237, %dma_wait3A_238] : memref<200x128xi32, #tpu.memory_space<vmem>> -> memref<1x128xi32, #tpu.memory_space<vmem>>
      %dma_wait3A_240 = tpu.memref_squeeze %dma_wait3A_239 : memref<1x128xi32, #tpu.memory_space<vmem>> -> memref<128xi32, #tpu.memory_space<vmem>>
      %dma_wait3A_241 = arith.constant 0 : i32
      %dma_wait3A_242 = arith.constant 0 : i32
      %dma_wait3A_243 = tpu.memref_slice %arg2[%dma_wait3A_241, %dma_wait3A_242] : memref<1000000x64xf32, #tpu.memory_space<hbm>> -> memref<1000000x64xf32, #tpu.memory_space<hbm>>
      tpu.wait_indirect_dma semaphore(%arg15 : memref<!tpu.dma_semaphore, #tpu.memory_space<semaphore_mem>>) src(%dma_wait3A_243 : memref<1000000x64xf32, #tpu.memory_space<hbm>>) dst(%arg7 : memref<128x64xf32, #tpu.memory_space<vmem>>)
      %add3A_244 = arith.constant 1 : i32
      %add3A_245 = arith.addi %mul3A_218, %add3A_244 : i32
      %mul3A_246 = arith.constant 128 : i32
      %mul3A_247 = arith.muli %add3A_245, %mul3A_246 : i32
      %add3A_248 = arith.addi %mul3A_2, %mul3A_247 : i32
      %dma_start3A_249 = arith.constant 0 : i32
      %dma_start3A_250 = tpu.memref_slice %arg4[%add3A_248, %dma_start3A_249] : memref<819200x64xf32, #tpu.memory_space<hbm>> -> memref<128x64xf32, #tpu.memory_space<hbm>>
      %dma_start3A_251 = arith.constant 0 : i32
      %dma_start3A_252 = tpu.memref_slice %arg4[%add3A_248, %dma_start3A_251] : memref<819200x64xf32, #tpu.memory_space<hbm>> -> memref<128x64xf32, #tpu.memory_space<hbm>>
      tpu.enqueue_dma source(%arg7 : memref<128x64xf32, #tpu.memory_space<vmem>>) target(%dma_start3A_252 : memref<128x64xf32, #tpu.memory_space<hbm>>) target_semaphore(%arg23 : memref<!tpu.dma_semaphore, #tpu.memory_space<semaphore_mem>>)
      %add3A_253 = arith.constant 2 : i32
      %add3A_254 = arith.addi %mul3A_218, %add3A_253 : i32
      %dma_wait3A_255 = arith.constant 0 : i32
      %dma_wait3A_256 = tpu.memref_slice %arg5[%add3A_254, %dma_wait3A_255] : memref<200x128xi32, #tpu.memory_space<vmem>> -> memref<1x128xi32, #tpu.memory_space<vmem>>
      %dma_wait3A_257 = tpu.memref_squeeze %dma_wait3A_256 : memref<1x128xi32, #tpu.memory_space<vmem>> -> memref<128xi32, #tpu.memory_space<vmem>>
      %dma_wait3A_258 = arith.constant 0 : i32
      %dma_wait3A_259 = arith.constant 0 : i32
      %dma_wait3A_260 = tpu.memref_slice %arg2[%dma_wait3A_258, %dma_wait3A_259] : memref<1000000x64xf32, #tpu.memory_space<hbm>> -> memref<1000000x64xf32, #tpu.memory_space<hbm>>
      tpu.wait_indirect_dma semaphore(%arg16 : memref<!tpu.dma_semaphore, #tpu.memory_space<semaphore_mem>>) src(%dma_wait3A_260 : memref<1000000x64xf32, #tpu.memory_space<hbm>>) dst(%arg8 : memref<128x64xf32, #tpu.memory_space<vmem>>)
      %add3A_261 = arith.constant 2 : i32
      %add3A_262 = arith.addi %mul3A_218, %add3A_261 : i32
      %mul3A_263 = arith.constant 128 : i32
      %mul3A_264 = arith.muli %add3A_262, %mul3A_263 : i32
      %add3A_265 = arith.addi %mul3A_2, %mul3A_264 : i32
      %dma_start3A_266 = arith.constant 0 : i32
      %dma_start3A_267 = tpu.memref_slice %arg4[%add3A_265, %dma_start3A_266] : memref<819200x64xf32, #tpu.memory_space<hbm>> -> memref<128x64xf32, #tpu.memory_space<hbm>>
      %dma_start3A_268 = arith.constant 0 : i32
      %dma_start3A_269 = tpu.memref_slice %arg4[%add3A_265, %dma_start3A_268] : memref<819200x64xf32, #tpu.memory_space<hbm>> -> memref<128x64xf32, #tpu.memory_space<hbm>>
      tpu.enqueue_dma source(%arg8 : memref<128x64xf32, #tpu.memory_space<vmem>>) target(%dma_start3A_269 : memref<128x64xf32, #tpu.memory_space<hbm>>) target_semaphore(%arg24 : memref<!tpu.dma_semaphore, #tpu.memory_space<semaphore_mem>>)
      %add3A_270 = arith.constant 3 : i32
      %add3A_271 = arith.addi %mul3A_218, %add3A_270 : i32
      %dma_wait3A_272 = arith.constant 0 : i32
      %dma_wait3A_273 = tpu.memref_slice %arg5[%add3A_271, %dma_wait3A_272] : memref<200x128xi32, #tpu.memory_space<vmem>> -> memref<1x128xi32, #tpu.memory_space<vmem>>
      %dma_wait3A_274 = tpu.memref_squeeze %dma_wait3A_273 : memref<1x128xi32, #tpu.memory_space<vmem>> -> memref<128xi32, #tpu.memory_space<vmem>>
      %dma_wait3A_275 = arith.constant 0 : i32
      %dma_wait3A_276 = arith.constant 0 : i32
      %dma_wait3A_277 = tpu.memref_slice %arg2[%dma_wait3A_275, %dma_wait3A_276] : memref<1000000x64xf32, #tpu.memory_space<hbm>> -> memref<1000000x64xf32, #tpu.memory_space<hbm>>
      tpu.wait_indirect_dma semaphore(%arg17 : memref<!tpu.dma_semaphore, #tpu.memory_space<semaphore_mem>>) src(%dma_wait3A_277 : memref<1000000x64xf32, #tpu.memory_space<hbm>>) dst(%arg9 : memref<128x64xf32, #tpu.memory_space<vmem>>)
      %add3A_278 = arith.constant 3 : i32
      %add3A_279 = arith.addi %mul3A_218, %add3A_278 : i32
      %mul3A_280 = arith.constant 128 : i32
      %mul3A_281 = arith.muli %add3A_279, %mul3A_280 : i32
      %add3A_282 = arith.addi %mul3A_2, %mul3A_281 : i32
      %dma_start3A_283 = arith.constant 0 : i32
      %dma_start3A_284 = tpu.memref_slice %arg4[%add3A_282, %dma_start3A_283] : memref<819200x64xf32, #tpu.memory_space<hbm>> -> memref<128x64xf32, #tpu.memory_space<hbm>>
      %dma_start3A_285 = arith.constant 0 : i32
      %dma_start3A_286 = tpu.memref_slice %arg4[%add3A_282, %dma_start3A_285] : memref<819200x64xf32, #tpu.memory_space<hbm>> -> memref<128x64xf32, #tpu.memory_space<hbm>>
      tpu.enqueue_dma source(%arg9 : memref<128x64xf32, #tpu.memory_space<vmem>>) target(%dma_start3A_286 : memref<128x64xf32, #tpu.memory_space<hbm>>) target_semaphore(%arg25 : memref<!tpu.dma_semaphore, #tpu.memory_space<semaphore_mem>>)
      %add3A_287 = arith.constant 4 : i32
      %add3A_288 = arith.addi %mul3A_218, %add3A_287 : i32
      %dma_wait3A_289 = arith.constant 0 : i32
      %dma_wait3A_290 = tpu.memref_slice %arg5[%add3A_288, %dma_wait3A_289] : memref<200x128xi32, #tpu.memory_space<vmem>> -> memref<1x128xi32, #tpu.memory_space<vmem>>
      %dma_wait3A_291 = tpu.memref_squeeze %dma_wait3A_290 : memref<1x128xi32, #tpu.memory_space<vmem>> -> memref<128xi32, #tpu.memory_space<vmem>>
      %dma_wait3A_292 = arith.constant 0 : i32
      %dma_wait3A_293 = arith.constant 0 : i32
      %dma_wait3A_294 = tpu.memref_slice %arg2[%dma_wait3A_292, %dma_wait3A_293] : memref<1000000x64xf32, #tpu.memory_space<hbm>> -> memref<1000000x64xf32, #tpu.memory_space<hbm>>
      tpu.wait_indirect_dma semaphore(%arg18 : memref<!tpu.dma_semaphore, #tpu.memory_space<semaphore_mem>>) src(%dma_wait3A_294 : memref<1000000x64xf32, #tpu.memory_space<hbm>>) dst(%arg10 : memref<128x64xf32, #tpu.memory_space<vmem>>)
      %add3A_295 = arith.constant 4 : i32
      %add3A_296 = arith.addi %mul3A_218, %add3A_295 : i32
      %mul3A_297 = arith.constant 128 : i32
      %mul3A_298 = arith.muli %add3A_296, %mul3A_297 : i32
      %add3A_299 = arith.addi %mul3A_2, %mul3A_298 : i32
      %dma_start3A_300 = arith.constant 0 : i32
      %dma_start3A_301 = tpu.memref_slice %arg4[%add3A_299, %dma_start3A_300] : memref<819200x64xf32, #tpu.memory_space<hbm>> -> memref<128x64xf32, #tpu.memory_space<hbm>>
      %dma_start3A_302 = arith.constant 0 : i32
      %dma_start3A_303 = tpu.memref_slice %arg4[%add3A_299, %dma_start3A_302] : memref<819200x64xf32, #tpu.memory_space<hbm>> -> memref<128x64xf32, #tpu.memory_space<hbm>>
      tpu.enqueue_dma source(%arg10 : memref<128x64xf32, #tpu.memory_space<vmem>>) target(%dma_start3A_303 : memref<128x64xf32, #tpu.memory_space<hbm>>) target_semaphore(%arg26 : memref<!tpu.dma_semaphore, #tpu.memory_space<semaphore_mem>>)
      %add3A_304 = arith.constant 5 : i32
      %add3A_305 = arith.addi %mul3A_218, %add3A_304 : i32
      %dma_wait3A_306 = arith.constant 0 : i32
      %dma_wait3A_307 = tpu.memref_slice %arg5[%add3A_305, %dma_wait3A_306] : memref<200x128xi32, #tpu.memory_space<vmem>> -> memref<1x128xi32, #tpu.memory_space<vmem>>
      %dma_wait3A_308 = tpu.memref_squeeze %dma_wait3A_307 : memref<1x128xi32, #tpu.memory_space<vmem>> -> memref<128xi32, #tpu.memory_space<vmem>>
      %dma_wait3A_309 = arith.constant 0 : i32
      %dma_wait3A_310 = arith.constant 0 : i32
      %dma_wait3A_311 = tpu.memref_slice %arg2[%dma_wait3A_309, %dma_wait3A_310] : memref<1000000x64xf32, #tpu.memory_space<hbm>> -> memref<1000000x64xf32, #tpu.memory_space<hbm>>
      tpu.wait_indirect_dma semaphore(%arg19 : memref<!tpu.dma_semaphore, #tpu.memory_space<semaphore_mem>>) src(%dma_wait3A_311 : memref<1000000x64xf32, #tpu.memory_space<hbm>>) dst(%arg11 : memref<128x64xf32, #tpu.memory_space<vmem>>)
      %add3A_312 = arith.constant 5 : i32
      %add3A_313 = arith.addi %mul3A_218, %add3A_312 : i32
      %mul3A_314 = arith.constant 128 : i32
      %mul3A_315 = arith.muli %add3A_313, %mul3A_314 : i32
      %add3A_316 = arith.addi %mul3A_2, %mul3A_315 : i32
      %dma_start3A_317 = arith.constant 0 : i32
      %dma_start3A_318 = tpu.memref_slice %arg4[%add3A_316, %dma_start3A_317] : memref<819200x64xf32, #tpu.memory_space<hbm>> -> memref<128x64xf32, #tpu.memory_space<hbm>>
      %dma_start3A_319 = arith.constant 0 : i32
      %dma_start3A_320 = tpu.memref_slice %arg4[%add3A_316, %dma_start3A_319] : memref<819200x64xf32, #tpu.memory_space<hbm>> -> memref<128x64xf32, #tpu.memory_space<hbm>>
      tpu.enqueue_dma source(%arg11 : memref<128x64xf32, #tpu.memory_space<vmem>>) target(%dma_start3A_320 : memref<128x64xf32, #tpu.memory_space<hbm>>) target_semaphore(%arg27 : memref<!tpu.dma_semaphore, #tpu.memory_space<semaphore_mem>>)
      %add3A_321 = arith.constant 6 : i32
      %add3A_322 = arith.addi %mul3A_218, %add3A_321 : i32
      %dma_wait3A_323 = arith.constant 0 : i32
      %dma_wait3A_324 = tpu.memref_slice %arg5[%add3A_322, %dma_wait3A_323] : memref<200x128xi32, #tpu.memory_space<vmem>> -> memref<1x128xi32, #tpu.memory_space<vmem>>
      %dma_wait3A_325 = tpu.memref_squeeze %dma_wait3A_324 : memref<1x128xi32, #tpu.memory_space<vmem>> -> memref<128xi32, #tpu.memory_space<vmem>>
      %dma_wait3A_326 = arith.constant 0 : i32
      %dma_wait3A_327 = arith.constant 0 : i32
      %dma_wait3A_328 = tpu.memref_slice %arg2[%dma_wait3A_326, %dma_wait3A_327] : memref<1000000x64xf32, #tpu.memory_space<hbm>> -> memref<1000000x64xf32, #tpu.memory_space<hbm>>
      tpu.wait_indirect_dma semaphore(%arg20 : memref<!tpu.dma_semaphore, #tpu.memory_space<semaphore_mem>>) src(%dma_wait3A_328 : memref<1000000x64xf32, #tpu.memory_space<hbm>>) dst(%arg12 : memref<128x64xf32, #tpu.memory_space<vmem>>)
      %add3A_329 = arith.constant 6 : i32
      %add3A_330 = arith.addi %mul3A_218, %add3A_329 : i32
      %mul3A_331 = arith.constant 128 : i32
      %mul3A_332 = arith.muli %add3A_330, %mul3A_331 : i32
      %add3A_333 = arith.addi %mul3A_2, %mul3A_332 : i32
      %dma_start3A_334 = arith.constant 0 : i32
      %dma_start3A_335 = tpu.memref_slice %arg4[%add3A_333, %dma_start3A_334] : memref<819200x64xf32, #tpu.memory_space<hbm>> -> memref<128x64xf32, #tpu.memory_space<hbm>>
      %dma_start3A_336 = arith.constant 0 : i32
      %dma_start3A_337 = tpu.memref_slice %arg4[%add3A_333, %dma_start3A_336] : memref<819200x64xf32, #tpu.memory_space<hbm>> -> memref<128x64xf32, #tpu.memory_space<hbm>>
      tpu.enqueue_dma source(%arg12 : memref<128x64xf32, #tpu.memory_space<vmem>>) target(%dma_start3A_337 : memref<128x64xf32, #tpu.memory_space<hbm>>) target_semaphore(%arg28 : memref<!tpu.dma_semaphore, #tpu.memory_space<semaphore_mem>>)
      %add3A_338 = arith.constant 7 : i32
      %add3A_339 = arith.addi %mul3A_218, %add3A_338 : i32
      %dma_wait3A_340 = arith.constant 0 : i32
      %dma_wait3A_341 = tpu.memref_slice %arg5[%add3A_339, %dma_wait3A_340] : memref<200x128xi32, #tpu.memory_space<vmem>> -> memref<1x128xi32, #tpu.memory_space<vmem>>
      %dma_wait3A_342 = tpu.memref_squeeze %dma_wait3A_341 : memref<1x128xi32, #tpu.memory_space<vmem>> -> memref<128xi32, #tpu.memory_space<vmem>>
      %dma_wait3A_343 = arith.constant 0 : i32
      %dma_wait3A_344 = arith.constant 0 : i32
      %dma_wait3A_345 = tpu.memref_slice %arg2[%dma_wait3A_343, %dma_wait3A_344] : memref<1000000x64xf32, #tpu.memory_space<hbm>> -> memref<1000000x64xf32, #tpu.memory_space<hbm>>
      tpu.wait_indirect_dma semaphore(%arg21 : memref<!tpu.dma_semaphore, #tpu.memory_space<semaphore_mem>>) src(%dma_wait3A_345 : memref<1000000x64xf32, #tpu.memory_space<hbm>>) dst(%arg13 : memref<128x64xf32, #tpu.memory_space<vmem>>)
      %add3A_346 = arith.constant 7 : i32
      %add3A_347 = arith.addi %mul3A_218, %add3A_346 : i32
      %mul3A_348 = arith.constant 128 : i32
      %mul3A_349 = arith.muli %add3A_347, %mul3A_348 : i32
      %add3A_350 = arith.addi %mul3A_2, %mul3A_349 : i32
      %dma_start3A_351 = arith.constant 0 : i32
      %dma_start3A_352 = tpu.memref_slice %arg4[%add3A_350, %dma_start3A_351] : memref<819200x64xf32, #tpu.memory_space<hbm>> -> memref<128x64xf32, #tpu.memory_space<hbm>>
      %dma_start3A_353 = arith.constant 0 : i32
      %dma_start3A_354 = tpu.memref_slice %arg4[%add3A_350, %dma_start3A_353] : memref<819200x64xf32, #tpu.memory_space<hbm>> -> memref<128x64xf32, #tpu.memory_space<hbm>>
      tpu.enqueue_dma source(%arg13 : memref<128x64xf32, #tpu.memory_space<vmem>>) target(%dma_start3A_354 : memref<128x64xf32, #tpu.memory_space<hbm>>) target_semaphore(%arg29 : memref<!tpu.dma_semaphore, #tpu.memory_space<semaphore_mem>>)
      %add3A_355 = arith.constant 0 : i32
      %add3A_356 = arith.addi %mul3A_218, %add3A_355 : i32
      %mul3A_357 = arith.constant 128 : i32
      %mul3A_358 = arith.muli %add3A_356, %mul3A_357 : i32
      %add3A_359 = arith.addi %mul3A_2, %mul3A_358 : i32
      %dma_wait3A_360 = arith.constant 0 : i32
      %dma_wait3A_361 = tpu.memref_slice %arg4[%add3A_359, %dma_wait3A_360] : memref<819200x64xf32, #tpu.memory_space<hbm>> -> memref<128x64xf32, #tpu.memory_space<hbm>>
      %dma_wait3A_362 = arith.constant 0 : i32
      %dma_wait3A_363 = tpu.memref_slice %arg4[%add3A_359, %dma_wait3A_362] : memref<819200x64xf32, #tpu.memory_space<hbm>> -> memref<128x64xf32, #tpu.memory_space<hbm>>
      tpu.wait_dma2 semaphore(%arg22 : memref<!tpu.dma_semaphore, #tpu.memory_space<semaphore_mem>>) src(%arg6 : memref<128x64xf32, #tpu.memory_space<vmem>>) dst(%dma_wait3A_363 : memref<128x64xf32, #tpu.memory_space<hbm>>)
      %add3A_364 = arith.constant 8 : i32
      %add3A_365 = arith.addi %mul3A_218, %add3A_364 : i32
      %add3A_366 = arith.constant 0 : i32
      %add3A_367 = arith.addi %add3A_365, %add3A_366 : i32
      %dma_start3A_368 = arith.constant 0 : i32
      %dma_start3A_369 = tpu.memref_slice %arg5[%add3A_367, %dma_start3A_368] : memref<200x128xi32, #tpu.memory_space<vmem>> -> memref<1x128xi32, #tpu.memory_space<vmem>>
      %dma_start3A_370 = tpu.memref_squeeze %dma_start3A_369 : memref<1x128xi32, #tpu.memory_space<vmem>> -> memref<128xi32, #tpu.memory_space<vmem>>
      %dma_start3A_371 = arith.constant 0 : i32
      %dma_start3A_372 = arith.constant 0 : i32
      %dma_start3A_373 = tpu.memref_slice %arg2[%dma_start3A_371, %dma_start3A_372] : memref<1000000x64xf32, #tpu.memory_space<hbm>> -> memref<1000000x64xf32, #tpu.memory_space<hbm>>
      tpu.enqueue_indirect_dma source(%dma_start3A_373 : memref<1000000x64xf32, #tpu.memory_space<hbm>>) target(%arg6 : memref<128x64xf32, #tpu.memory_space<vmem>>) offsets(%dma_start3A_370 : memref<128xi32, #tpu.memory_space<vmem>>) semaphore(%arg14 : memref<!tpu.dma_semaphore, #tpu.memory_space<semaphore_mem>>)
      %add3A_374 = arith.constant 1 : i32
      %add3A_375 = arith.addi %mul3A_218, %add3A_374 : i32
      %mul3A_376 = arith.constant 128 : i32
      %mul3A_377 = arith.muli %add3A_375, %mul3A_376 : i32
      %add3A_378 = arith.addi %mul3A_2, %mul3A_377 : i32
      %dma_wait3A_379 = arith.constant 0 : i32
      %dma_wait3A_380 = tpu.memref_slice %arg4[%add3A_378, %dma_wait3A_379] : memref<819200x64xf32, #tpu.memory_space<hbm>> -> memref<128x64xf32, #tpu.memory_space<hbm>>
      %dma_wait3A_381 = arith.constant 0 : i32
      %dma_wait3A_382 = tpu.memref_slice %arg4[%add3A_378, %dma_wait3A_381] : memref<819200x64xf32, #tpu.memory_space<hbm>> -> memref<128x64xf32, #tpu.memory_space<hbm>>
      tpu.wait_dma2 semaphore(%arg23 : memref<!tpu.dma_semaphore, #tpu.memory_space<semaphore_mem>>) src(%arg7 : memref<128x64xf32, #tpu.memory_space<vmem>>) dst(%dma_wait3A_382 : memref<128x64xf32, #tpu.memory_space<hbm>>)
      %add3A_383 = arith.constant 8 : i32
      %add3A_384 = arith.addi %mul3A_218, %add3A_383 : i32
      %add3A_385 = arith.constant 1 : i32
      %add3A_386 = arith.addi %add3A_384, %add3A_385 : i32
      %dma_start3A_387 = arith.constant 0 : i32
      %dma_start3A_388 = tpu.memref_slice %arg5[%add3A_386, %dma_start3A_387] : memref<200x128xi32, #tpu.memory_space<vmem>> -> memref<1x128xi32, #tpu.memory_space<vmem>>
      %dma_start3A_389 = tpu.memref_squeeze %dma_start3A_388 : memref<1x128xi32, #tpu.memory_space<vmem>> -> memref<128xi32, #tpu.memory_space<vmem>>
      %dma_start3A_390 = arith.constant 0 : i32
      %dma_start3A_391 = arith.constant 0 : i32
      %dma_start3A_392 = tpu.memref_slice %arg2[%dma_start3A_390, %dma_start3A_391] : memref<1000000x64xf32, #tpu.memory_space<hbm>> -> memref<1000000x64xf32, #tpu.memory_space<hbm>>
      tpu.enqueue_indirect_dma source(%dma_start3A_392 : memref<1000000x64xf32, #tpu.memory_space<hbm>>) target(%arg7 : memref<128x64xf32, #tpu.memory_space<vmem>>) offsets(%dma_start3A_389 : memref<128xi32, #tpu.memory_space<vmem>>) semaphore(%arg15 : memref<!tpu.dma_semaphore, #tpu.memory_space<semaphore_mem>>)
      %add3A_393 = arith.constant 2 : i32
      %add3A_394 = arith.addi %mul3A_218, %add3A_393 : i32
      %mul3A_395 = arith.constant 128 : i32
      %mul3A_396 = arith.muli %add3A_394, %mul3A_395 : i32
      %add3A_397 = arith.addi %mul3A_2, %mul3A_396 : i32
      %dma_wait3A_398 = arith.constant 0 : i32
      %dma_wait3A_399 = tpu.memref_slice %arg4[%add3A_397, %dma_wait3A_398] : memref<819200x64xf32, #tpu.memory_space<hbm>> -> memref<128x64xf32, #tpu.memory_space<hbm>>
      %dma_wait3A_400 = arith.constant 0 : i32
      %dma_wait3A_401 = tpu.memref_slice %arg4[%add3A_397, %dma_wait3A_400] : memref<819200x64xf32, #tpu.memory_space<hbm>> -> memref<128x64xf32, #tpu.memory_space<hbm>>
      tpu.wait_dma2 semaphore(%arg24 : memref<!tpu.dma_semaphore, #tpu.memory_space<semaphore_mem>>) src(%arg8 : memref<128x64xf32, #tpu.memory_space<vmem>>) dst(%dma_wait3A_401 : memref<128x64xf32, #tpu.memory_space<hbm>>)
      %add3A_402 = arith.constant 8 : i32
      %add3A_403 = arith.addi %mul3A_218, %add3A_402 : i32
      %add3A_404 = arith.constant 2 : i32
      %add3A_405 = arith.addi %add3A_403, %add3A_404 : i32
      %dma_start3A_406 = arith.constant 0 : i32
      %dma_start3A_407 = tpu.memref_slice %arg5[%add3A_405, %dma_start3A_406] : memref<200x128xi32, #tpu.memory_space<vmem>> -> memref<1x128xi32, #tpu.memory_space<vmem>>
      %dma_start3A_408 = tpu.memref_squeeze %dma_start3A_407 : memref<1x128xi32, #tpu.memory_space<vmem>> -> memref<128xi32, #tpu.memory_space<vmem>>
      %dma_start3A_409 = arith.constant 0 : i32
      %dma_start3A_410 = arith.constant 0 : i32
      %dma_start3A_411 = tpu.memref_slice %arg2[%dma_start3A_409, %dma_start3A_410] : memref<1000000x64xf32, #tpu.memory_space<hbm>> -> memref<1000000x64xf32, #tpu.memory_space<hbm>>
      tpu.enqueue_indirect_dma source(%dma_start3A_411 : memref<1000000x64xf32, #tpu.memory_space<hbm>>) target(%arg8 : memref<128x64xf32, #tpu.memory_space<vmem>>) offsets(%dma_start3A_408 : memref<128xi32, #tpu.memory_space<vmem>>) semaphore(%arg16 : memref<!tpu.dma_semaphore, #tpu.memory_space<semaphore_mem>>)
      %add3A_412 = arith.constant 3 : i32
      %add3A_413 = arith.addi %mul3A_218, %add3A_412 : i32
      %mul3A_414 = arith.constant 128 : i32
      %mul3A_415 = arith.muli %add3A_413, %mul3A_414 : i32
      %add3A_416 = arith.addi %mul3A_2, %mul3A_415 : i32
      %dma_wait3A_417 = arith.constant 0 : i32
      %dma_wait3A_418 = tpu.memref_slice %arg4[%add3A_416, %dma_wait3A_417] : memref<819200x64xf32, #tpu.memory_space<hbm>> -> memref<128x64xf32, #tpu.memory_space<hbm>>
      %dma_wait3A_419 = arith.constant 0 : i32
      %dma_wait3A_420 = tpu.memref_slice %arg4[%add3A_416, %dma_wait3A_419] : memref<819200x64xf32, #tpu.memory_space<hbm>> -> memref<128x64xf32, #tpu.memory_space<hbm>>
      tpu.wait_dma2 semaphore(%arg25 : memref<!tpu.dma_semaphore, #tpu.memory_space<semaphore_mem>>) src(%arg9 : memref<128x64xf32, #tpu.memory_space<vmem>>) dst(%dma_wait3A_420 : memref<128x64xf32, #tpu.memory_space<hbm>>)
      %add3A_421 = arith.constant 8 : i32
      %add3A_422 = arith.addi %mul3A_218, %add3A_421 : i32
      %add3A_423 = arith.constant 3 : i32
      %add3A_424 = arith.addi %add3A_422, %add3A_423 : i32
      %dma_start3A_425 = arith.constant 0 : i32
      %dma_start3A_426 = tpu.memref_slice %arg5[%add3A_424, %dma_start3A_425] : memref<200x128xi32, #tpu.memory_space<vmem>> -> memref<1x128xi32, #tpu.memory_space<vmem>>
      %dma_start3A_427 = tpu.memref_squeeze %dma_start3A_426 : memref<1x128xi32, #tpu.memory_space<vmem>> -> memref<128xi32, #tpu.memory_space<vmem>>
      %dma_start3A_428 = arith.constant 0 : i32
      %dma_start3A_429 = arith.constant 0 : i32
      %dma_start3A_430 = tpu.memref_slice %arg2[%dma_start3A_428, %dma_start3A_429] : memref<1000000x64xf32, #tpu.memory_space<hbm>> -> memref<1000000x64xf32, #tpu.memory_space<hbm>>
      tpu.enqueue_indirect_dma source(%dma_start3A_430 : memref<1000000x64xf32, #tpu.memory_space<hbm>>) target(%arg9 : memref<128x64xf32, #tpu.memory_space<vmem>>) offsets(%dma_start3A_427 : memref<128xi32, #tpu.memory_space<vmem>>) semaphore(%arg17 : memref<!tpu.dma_semaphore, #tpu.memory_space<semaphore_mem>>)
      %add3A_431 = arith.constant 4 : i32
      %add3A_432 = arith.addi %mul3A_218, %add3A_431 : i32
      %mul3A_433 = arith.constant 128 : i32
      %mul3A_434 = arith.muli %add3A_432, %mul3A_433 : i32
      %add3A_435 = arith.addi %mul3A_2, %mul3A_434 : i32
      %dma_wait3A_436 = arith.constant 0 : i32
      %dma_wait3A_437 = tpu.memref_slice %arg4[%add3A_435, %dma_wait3A_436] : memref<819200x64xf32, #tpu.memory_space<hbm>> -> memref<128x64xf32, #tpu.memory_space<hbm>>
      %dma_wait3A_438 = arith.constant 0 : i32
      %dma_wait3A_439 = tpu.memref_slice %arg4[%add3A_435, %dma_wait3A_438] : memref<819200x64xf32, #tpu.memory_space<hbm>> -> memref<128x64xf32, #tpu.memory_space<hbm>>
      tpu.wait_dma2 semaphore(%arg26 : memref<!tpu.dma_semaphore, #tpu.memory_space<semaphore_mem>>) src(%arg10 : memref<128x64xf32, #tpu.memory_space<vmem>>) dst(%dma_wait3A_439 : memref<128x64xf32, #tpu.memory_space<hbm>>)
      %add3A_440 = arith.constant 8 : i32
      %add3A_441 = arith.addi %mul3A_218, %add3A_440 : i32
      %add3A_442 = arith.constant 4 : i32
      %add3A_443 = arith.addi %add3A_441, %add3A_442 : i32
      %dma_start3A_444 = arith.constant 0 : i32
      %dma_start3A_445 = tpu.memref_slice %arg5[%add3A_443, %dma_start3A_444] : memref<200x128xi32, #tpu.memory_space<vmem>> -> memref<1x128xi32, #tpu.memory_space<vmem>>
      %dma_start3A_446 = tpu.memref_squeeze %dma_start3A_445 : memref<1x128xi32, #tpu.memory_space<vmem>> -> memref<128xi32, #tpu.memory_space<vmem>>
      %dma_start3A_447 = arith.constant 0 : i32
      %dma_start3A_448 = arith.constant 0 : i32
      %dma_start3A_449 = tpu.memref_slice %arg2[%dma_start3A_447, %dma_start3A_448] : memref<1000000x64xf32, #tpu.memory_space<hbm>> -> memref<1000000x64xf32, #tpu.memory_space<hbm>>
      tpu.enqueue_indirect_dma source(%dma_start3A_449 : memref<1000000x64xf32, #tpu.memory_space<hbm>>) target(%arg10 : memref<128x64xf32, #tpu.memory_space<vmem>>) offsets(%dma_start3A_446 : memref<128xi32, #tpu.memory_space<vmem>>) semaphore(%arg18 : memref<!tpu.dma_semaphore, #tpu.memory_space<semaphore_mem>>)
      %add3A_450 = arith.constant 5 : i32
      %add3A_451 = arith.addi %mul3A_218, %add3A_450 : i32
      %mul3A_452 = arith.constant 128 : i32
      %mul3A_453 = arith.muli %add3A_451, %mul3A_452 : i32
      %add3A_454 = arith.addi %mul3A_2, %mul3A_453 : i32
      %dma_wait3A_455 = arith.constant 0 : i32
      %dma_wait3A_456 = tpu.memref_slice %arg4[%add3A_454, %dma_wait3A_455] : memref<819200x64xf32, #tpu.memory_space<hbm>> -> memref<128x64xf32, #tpu.memory_space<hbm>>
      %dma_wait3A_457 = arith.constant 0 : i32
      %dma_wait3A_458 = tpu.memref_slice %arg4[%add3A_454, %dma_wait3A_457] : memref<819200x64xf32, #tpu.memory_space<hbm>> -> memref<128x64xf32, #tpu.memory_space<hbm>>
      tpu.wait_dma2 semaphore(%arg27 : memref<!tpu.dma_semaphore, #tpu.memory_space<semaphore_mem>>) src(%arg11 : memref<128x64xf32, #tpu.memory_space<vmem>>) dst(%dma_wait3A_458 : memref<128x64xf32, #tpu.memory_space<hbm>>)
      %add3A_459 = arith.constant 8 : i32
      %add3A_460 = arith.addi %mul3A_218, %add3A_459 : i32
      %add3A_461 = arith.constant 5 : i32
      %add3A_462 = arith.addi %add3A_460, %add3A_461 : i32
      %dma_start3A_463 = arith.constant 0 : i32
      %dma_start3A_464 = tpu.memref_slice %arg5[%add3A_462, %dma_start3A_463] : memref<200x128xi32, #tpu.memory_space<vmem>> -> memref<1x128xi32, #tpu.memory_space<vmem>>
      %dma_start3A_465 = tpu.memref_squeeze %dma_start3A_464 : memref<1x128xi32, #tpu.memory_space<vmem>> -> memref<128xi32, #tpu.memory_space<vmem>>
      %dma_start3A_466 = arith.constant 0 : i32
      %dma_start3A_467 = arith.constant 0 : i32
      %dma_start3A_468 = tpu.memref_slice %arg2[%dma_start3A_466, %dma_start3A_467] : memref<1000000x64xf32, #tpu.memory_space<hbm>> -> memref<1000000x64xf32, #tpu.memory_space<hbm>>
      tpu.enqueue_indirect_dma source(%dma_start3A_468 : memref<1000000x64xf32, #tpu.memory_space<hbm>>) target(%arg11 : memref<128x64xf32, #tpu.memory_space<vmem>>) offsets(%dma_start3A_465 : memref<128xi32, #tpu.memory_space<vmem>>) semaphore(%arg19 : memref<!tpu.dma_semaphore, #tpu.memory_space<semaphore_mem>>)
      %add3A_469 = arith.constant 6 : i32
      %add3A_470 = arith.addi %mul3A_218, %add3A_469 : i32
      %mul3A_471 = arith.constant 128 : i32
      %mul3A_472 = arith.muli %add3A_470, %mul3A_471 : i32
      %add3A_473 = arith.addi %mul3A_2, %mul3A_472 : i32
      %dma_wait3A_474 = arith.constant 0 : i32
      %dma_wait3A_475 = tpu.memref_slice %arg4[%add3A_473, %dma_wait3A_474] : memref<819200x64xf32, #tpu.memory_space<hbm>> -> memref<128x64xf32, #tpu.memory_space<hbm>>
      %dma_wait3A_476 = arith.constant 0 : i32
      %dma_wait3A_477 = tpu.memref_slice %arg4[%add3A_473, %dma_wait3A_476] : memref<819200x64xf32, #tpu.memory_space<hbm>> -> memref<128x64xf32, #tpu.memory_space<hbm>>
      tpu.wait_dma2 semaphore(%arg28 : memref<!tpu.dma_semaphore, #tpu.memory_space<semaphore_mem>>) src(%arg12 : memref<128x64xf32, #tpu.memory_space<vmem>>) dst(%dma_wait3A_477 : memref<128x64xf32, #tpu.memory_space<hbm>>)
      %add3A_478 = arith.constant 8 : i32
      %add3A_479 = arith.addi %mul3A_218, %add3A_478 : i32
      %add3A_480 = arith.constant 6 : i32
      %add3A_481 = arith.addi %add3A_479, %add3A_480 : i32
      %dma_start3A_482 = arith.constant 0 : i32
      %dma_start3A_483 = tpu.memref_slice %arg5[%add3A_481, %dma_start3A_482] : memref<200x128xi32, #tpu.memory_space<vmem>> -> memref<1x128xi32, #tpu.memory_space<vmem>>
      %dma_start3A_484 = tpu.memref_squeeze %dma_start3A_483 : memref<1x128xi32, #tpu.memory_space<vmem>> -> memref<128xi32, #tpu.memory_space<vmem>>
      %dma_start3A_485 = arith.constant 0 : i32
      %dma_start3A_486 = arith.constant 0 : i32
      %dma_start3A_487 = tpu.memref_slice %arg2[%dma_start3A_485, %dma_start3A_486] : memref<1000000x64xf32, #tpu.memory_space<hbm>> -> memref<1000000x64xf32, #tpu.memory_space<hbm>>
      tpu.enqueue_indirect_dma source(%dma_start3A_487 : memref<1000000x64xf32, #tpu.memory_space<hbm>>) target(%arg12 : memref<128x64xf32, #tpu.memory_space<vmem>>) offsets(%dma_start3A_484 : memref<128xi32, #tpu.memory_space<vmem>>) semaphore(%arg20 : memref<!tpu.dma_semaphore, #tpu.memory_space<semaphore_mem>>)
      %add3A_488 = arith.constant 7 : i32
      %add3A_489 = arith.addi %mul3A_218, %add3A_488 : i32
      %mul3A_490 = arith.constant 128 : i32
      %mul3A_491 = arith.muli %add3A_489, %mul3A_490 : i32
      %add3A_492 = arith.addi %mul3A_2, %mul3A_491 : i32
      %dma_wait3A_493 = arith.constant 0 : i32
      %dma_wait3A_494 = tpu.memref_slice %arg4[%add3A_492, %dma_wait3A_493] : memref<819200x64xf32, #tpu.memory_space<hbm>> -> memref<128x64xf32, #tpu.memory_space<hbm>>
      %dma_wait3A_495 = arith.constant 0 : i32
      %dma_wait3A_496 = tpu.memref_slice %arg4[%add3A_492, %dma_wait3A_495] : memref<819200x64xf32, #tpu.memory_space<hbm>> -> memref<128x64xf32, #tpu.memory_space<hbm>>
      tpu.wait_dma2 semaphore(%arg29 : memref<!tpu.dma_semaphore, #tpu.memory_space<semaphore_mem>>) src(%arg13 : memref<128x64xf32, #tpu.memory_space<vmem>>) dst(%dma_wait3A_496 : memref<128x64xf32, #tpu.memory_space<hbm>>)
      %add3A_497 = arith.constant 8 : i32
      %add3A_498 = arith.addi %mul3A_218, %add3A_497 : i32
      %add3A_499 = arith.constant 7 : i32
      %add3A_500 = arith.addi %add3A_498, %add3A_499 : i32
      %dma_start3A_501 = arith.constant 0 : i32
      %dma_start3A_502 = tpu.memref_slice %arg5[%add3A_500, %dma_start3A_501] : memref<200x128xi32, #tpu.memory_space<vmem>> -> memref<1x128xi32, #tpu.memory_space<vmem>>
      %dma_start3A_503 = tpu.memref_squeeze %dma_start3A_502 : memref<1x128xi32, #tpu.memory_space<vmem>> -> memref<128xi32, #tpu.memory_space<vmem>>
      %dma_start3A_504 = arith.constant 0 : i32
      %dma_start3A_505 = arith.constant 0 : i32
      %dma_start3A_506 = tpu.memref_slice %arg2[%dma_start3A_504, %dma_start3A_505] : memref<1000000x64xf32, #tpu.memory_space<hbm>> -> memref<1000000x64xf32, #tpu.memory_space<hbm>>
      tpu.enqueue_indirect_dma source(%dma_start3A_506 : memref<1000000x64xf32, #tpu.memory_space<hbm>>) target(%arg13 : memref<128x64xf32, #tpu.memory_space<vmem>>) offsets(%dma_start3A_503 : memref<128xi32, #tpu.memory_space<vmem>>) semaphore(%arg21 : memref<!tpu.dma_semaphore, #tpu.memory_space<semaphore_mem>>)
    }
    %scan3A_64 = arith.constant 24 : i32
    %dma_wait3A = arith.constant 192 : i32
    %dma_wait3A_65 = arith.constant 0 : i32
    %dma_wait3A_66 = tpu.memref_slice %arg5[%dma_wait3A, %dma_wait3A_65] : memref<200x128xi32, #tpu.memory_space<vmem>> -> memref<1x128xi32, #tpu.memory_space<vmem>>
    %dma_wait3A_67 = tpu.memref_squeeze %dma_wait3A_66 : memref<1x128xi32, #tpu.memory_space<vmem>> -> memref<128xi32, #tpu.memory_space<vmem>>
    %dma_wait3A_68 = arith.constant 0 : i32
    %dma_wait3A_69 = arith.constant 0 : i32
    %dma_wait3A_70 = tpu.memref_slice %arg2[%dma_wait3A_68, %dma_wait3A_69] : memref<1000000x64xf32, #tpu.memory_space<hbm>> -> memref<1000000x64xf32, #tpu.memory_space<hbm>>
    tpu.wait_indirect_dma semaphore(%arg14 : memref<!tpu.dma_semaphore, #tpu.memory_space<semaphore_mem>>) src(%dma_wait3A_70 : memref<1000000x64xf32, #tpu.memory_space<hbm>>) dst(%arg6 : memref<128x64xf32, #tpu.memory_space<vmem>>)
    %add3A_71 = arith.constant 24576 : i32
    %add3A_72 = arith.addi %mul3A_2, %add3A_71 : i32
    %dma_start3A_73 = arith.constant 0 : i32
    %dma_start3A_74 = tpu.memref_slice %arg4[%add3A_72, %dma_start3A_73] : memref<819200x64xf32, #tpu.memory_space<hbm>> -> memref<128x64xf32, #tpu.memory_space<hbm>>
    %dma_start3A_75 = arith.constant 0 : i32
    %dma_start3A_76 = tpu.memref_slice %arg4[%add3A_72, %dma_start3A_75] : memref<819200x64xf32, #tpu.memory_space<hbm>> -> memref<128x64xf32, #tpu.memory_space<hbm>>
    tpu.enqueue_dma source(%arg6 : memref<128x64xf32, #tpu.memory_space<vmem>>) target(%dma_start3A_76 : memref<128x64xf32, #tpu.memory_space<hbm>>) target_semaphore(%arg22 : memref<!tpu.dma_semaphore, #tpu.memory_space<semaphore_mem>>)
    %dma_wait3A_77 = arith.constant 193 : i32
    %dma_wait3A_78 = arith.constant 0 : i32
    %dma_wait3A_79 = tpu.memref_slice %arg5[%dma_wait3A_77, %dma_wait3A_78] : memref<200x128xi32, #tpu.memory_space<vmem>> -> memref<1x128xi32, #tpu.memory_space<vmem>>
    %dma_wait3A_80 = tpu.memref_squeeze %dma_wait3A_79 : memref<1x128xi32, #tpu.memory_space<vmem>> -> memref<128xi32, #tpu.memory_space<vmem>>
    %dma_wait3A_81 = arith.constant 0 : i32
    %dma_wait3A_82 = arith.constant 0 : i32
    %dma_wait3A_83 = tpu.memref_slice %arg2[%dma_wait3A_81, %dma_wait3A_82] : memref<1000000x64xf32, #tpu.memory_space<hbm>> -> memref<1000000x64xf32, #tpu.memory_space<hbm>>
    tpu.wait_indirect_dma semaphore(%arg15 : memref<!tpu.dma_semaphore, #tpu.memory_space<semaphore_mem>>) src(%dma_wait3A_83 : memref<1000000x64xf32, #tpu.memory_space<hbm>>) dst(%arg7 : memref<128x64xf32, #tpu.memory_space<vmem>>)
    %add3A_84 = arith.constant 24704 : i32
    %add3A_85 = arith.addi %mul3A_2, %add3A_84 : i32
    %dma_start3A_86 = arith.constant 0 : i32
    %dma_start3A_87 = tpu.memref_slice %arg4[%add3A_85, %dma_start3A_86] : memref<819200x64xf32, #tpu.memory_space<hbm>> -> memref<128x64xf32, #tpu.memory_space<hbm>>
    %dma_start3A_88 = arith.constant 0 : i32
    %dma_start3A_89 = tpu.memref_slice %arg4[%add3A_85, %dma_start3A_88] : memref<819200x64xf32, #tpu.memory_space<hbm>> -> memref<128x64xf32, #tpu.memory_space<hbm>>
    tpu.enqueue_dma source(%arg7 : memref<128x64xf32, #tpu.memory_space<vmem>>) target(%dma_start3A_89 : memref<128x64xf32, #tpu.memory_space<hbm>>) target_semaphore(%arg23 : memref<!tpu.dma_semaphore, #tpu.memory_space<semaphore_mem>>)
    %dma_wait3A_90 = arith.constant 194 : i32
    %dma_wait3A_91 = arith.constant 0 : i32
    %dma_wait3A_92 = tpu.memref_slice %arg5[%dma_wait3A_90, %dma_wait3A_91] : memref<200x128xi32, #tpu.memory_space<vmem>> -> memref<1x128xi32, #tpu.memory_space<vmem>>
    %dma_wait3A_93 = tpu.memref_squeeze %dma_wait3A_92 : memref<1x128xi32, #tpu.memory_space<vmem>> -> memref<128xi32, #tpu.memory_space<vmem>>
    %dma_wait3A_94 = arith.constant 0 : i32
    %dma_wait3A_95 = arith.constant 0 : i32
    %dma_wait3A_96 = tpu.memref_slice %arg2[%dma_wait3A_94, %dma_wait3A_95] : memref<1000000x64xf32, #tpu.memory_space<hbm>> -> memref<1000000x64xf32, #tpu.memory_space<hbm>>
    tpu.wait_indirect_dma semaphore(%arg16 : memref<!tpu.dma_semaphore, #tpu.memory_space<semaphore_mem>>) src(%dma_wait3A_96 : memref<1000000x64xf32, #tpu.memory_space<hbm>>) dst(%arg8 : memref<128x64xf32, #tpu.memory_space<vmem>>)
    %add3A_97 = arith.constant 24832 : i32
    %add3A_98 = arith.addi %mul3A_2, %add3A_97 : i32
    %dma_start3A_99 = arith.constant 0 : i32
    %dma_start3A_100 = tpu.memref_slice %arg4[%add3A_98, %dma_start3A_99] : memref<819200x64xf32, #tpu.memory_space<hbm>> -> memref<128x64xf32, #tpu.memory_space<hbm>>
    %dma_start3A_101 = arith.constant 0 : i32
    %dma_start3A_102 = tpu.memref_slice %arg4[%add3A_98, %dma_start3A_101] : memref<819200x64xf32, #tpu.memory_space<hbm>> -> memref<128x64xf32, #tpu.memory_space<hbm>>
    tpu.enqueue_dma source(%arg8 : memref<128x64xf32, #tpu.memory_space<vmem>>) target(%dma_start3A_102 : memref<128x64xf32, #tpu.memory_space<hbm>>) target_semaphore(%arg24 : memref<!tpu.dma_semaphore, #tpu.memory_space<semaphore_mem>>)
    %dma_wait3A_103 = arith.constant 195 : i32
    %dma_wait3A_104 = arith.constant 0 : i32
    %dma_wait3A_105 = tpu.memref_slice %arg5[%dma_wait3A_103, %dma_wait3A_104] : memref<200x128xi32, #tpu.memory_space<vmem>> -> memref<1x128xi32, #tpu.memory_space<vmem>>
    %dma_wait3A_106 = tpu.memref_squeeze %dma_wait3A_105 : memref<1x128xi32, #tpu.memory_space<vmem>> -> memref<128xi32, #tpu.memory_space<vmem>>
    %dma_wait3A_107 = arith.constant 0 : i32
    %dma_wait3A_108 = arith.constant 0 : i32
    %dma_wait3A_109 = tpu.memref_slice %arg2[%dma_wait3A_107, %dma_wait3A_108] : memref<1000000x64xf32, #tpu.memory_space<hbm>> -> memref<1000000x64xf32, #tpu.memory_space<hbm>>
    tpu.wait_indirect_dma semaphore(%arg17 : memref<!tpu.dma_semaphore, #tpu.memory_space<semaphore_mem>>) src(%dma_wait3A_109 : memref<1000000x64xf32, #tpu.memory_space<hbm>>) dst(%arg9 : memref<128x64xf32, #tpu.memory_space<vmem>>)
    %add3A_110 = arith.constant 24960 : i32
    %add3A_111 = arith.addi %mul3A_2, %add3A_110 : i32
    %dma_start3A_112 = arith.constant 0 : i32
    %dma_start3A_113 = tpu.memref_slice %arg4[%add3A_111, %dma_start3A_112] : memref<819200x64xf32, #tpu.memory_space<hbm>> -> memref<128x64xf32, #tpu.memory_space<hbm>>
    %dma_start3A_114 = arith.constant 0 : i32
    %dma_start3A_115 = tpu.memref_slice %arg4[%add3A_111, %dma_start3A_114] : memref<819200x64xf32, #tpu.memory_space<hbm>> -> memref<128x64xf32, #tpu.memory_space<hbm>>
    tpu.enqueue_dma source(%arg9 : memref<128x64xf32, #tpu.memory_space<vmem>>) target(%dma_start3A_115 : memref<128x64xf32, #tpu.memory_space<hbm>>) target_semaphore(%arg25 : memref<!tpu.dma_semaphore, #tpu.memory_space<semaphore_mem>>)
    %dma_wait3A_116 = arith.constant 196 : i32
    %dma_wait3A_117 = arith.constant 0 : i32
    %dma_wait3A_118 = tpu.memref_slice %arg5[%dma_wait3A_116, %dma_wait3A_117] : memref<200x128xi32, #tpu.memory_space<vmem>> -> memref<1x128xi32, #tpu.memory_space<vmem>>
    %dma_wait3A_119 = tpu.memref_squeeze %dma_wait3A_118 : memref<1x128xi32, #tpu.memory_space<vmem>> -> memref<128xi32, #tpu.memory_space<vmem>>
    %dma_wait3A_120 = arith.constant 0 : i32
    %dma_wait3A_121 = arith.constant 0 : i32
    %dma_wait3A_122 = tpu.memref_slice %arg2[%dma_wait3A_120, %dma_wait3A_121] : memref<1000000x64xf32, #tpu.memory_space<hbm>> -> memref<1000000x64xf32, #tpu.memory_space<hbm>>
    tpu.wait_indirect_dma semaphore(%arg18 : memref<!tpu.dma_semaphore, #tpu.memory_space<semaphore_mem>>) src(%dma_wait3A_122 : memref<1000000x64xf32, #tpu.memory_space<hbm>>) dst(%arg10 : memref<128x64xf32, #tpu.memory_space<vmem>>)
    %add3A_123 = arith.constant 25088 : i32
    %add3A_124 = arith.addi %mul3A_2, %add3A_123 : i32
    %dma_start3A_125 = arith.constant 0 : i32
    %dma_start3A_126 = tpu.memref_slice %arg4[%add3A_124, %dma_start3A_125] : memref<819200x64xf32, #tpu.memory_space<hbm>> -> memref<128x64xf32, #tpu.memory_space<hbm>>
    %dma_start3A_127 = arith.constant 0 : i32
    %dma_start3A_128 = tpu.memref_slice %arg4[%add3A_124, %dma_start3A_127] : memref<819200x64xf32, #tpu.memory_space<hbm>> -> memref<128x64xf32, #tpu.memory_space<hbm>>
    tpu.enqueue_dma source(%arg10 : memref<128x64xf32, #tpu.memory_space<vmem>>) target(%dma_start3A_128 : memref<128x64xf32, #tpu.memory_space<hbm>>) target_semaphore(%arg26 : memref<!tpu.dma_semaphore, #tpu.memory_space<semaphore_mem>>)
    %dma_wait3A_129 = arith.constant 197 : i32
    %dma_wait3A_130 = arith.constant 0 : i32
    %dma_wait3A_131 = tpu.memref_slice %arg5[%dma_wait3A_129, %dma_wait3A_130] : memref<200x128xi32, #tpu.memory_space<vmem>> -> memref<1x128xi32, #tpu.memory_space<vmem>>
    %dma_wait3A_132 = tpu.memref_squeeze %dma_wait3A_131 : memref<1x128xi32, #tpu.memory_space<vmem>> -> memref<128xi32, #tpu.memory_space<vmem>>
    %dma_wait3A_133 = arith.constant 0 : i32
    %dma_wait3A_134 = arith.constant 0 : i32
    %dma_wait3A_135 = tpu.memref_slice %arg2[%dma_wait3A_133, %dma_wait3A_134] : memref<1000000x64xf32, #tpu.memory_space<hbm>> -> memref<1000000x64xf32, #tpu.memory_space<hbm>>
    tpu.wait_indirect_dma semaphore(%arg19 : memref<!tpu.dma_semaphore, #tpu.memory_space<semaphore_mem>>) src(%dma_wait3A_135 : memref<1000000x64xf32, #tpu.memory_space<hbm>>) dst(%arg11 : memref<128x64xf32, #tpu.memory_space<vmem>>)
    %add3A_136 = arith.constant 25216 : i32
    %add3A_137 = arith.addi %mul3A_2, %add3A_136 : i32
    %dma_start3A_138 = arith.constant 0 : i32
    %dma_start3A_139 = tpu.memref_slice %arg4[%add3A_137, %dma_start3A_138] : memref<819200x64xf32, #tpu.memory_space<hbm>> -> memref<128x64xf32, #tpu.memory_space<hbm>>
    %dma_start3A_140 = arith.constant 0 : i32
    %dma_start3A_141 = tpu.memref_slice %arg4[%add3A_137, %dma_start3A_140] : memref<819200x64xf32, #tpu.memory_space<hbm>> -> memref<128x64xf32, #tpu.memory_space<hbm>>
    tpu.enqueue_dma source(%arg11 : memref<128x64xf32, #tpu.memory_space<vmem>>) target(%dma_start3A_141 : memref<128x64xf32, #tpu.memory_space<hbm>>) target_semaphore(%arg27 : memref<!tpu.dma_semaphore, #tpu.memory_space<semaphore_mem>>)
    %dma_wait3A_142 = arith.constant 198 : i32
    %dma_wait3A_143 = arith.constant 0 : i32
    %dma_wait3A_144 = tpu.memref_slice %arg5[%dma_wait3A_142, %dma_wait3A_143] : memref<200x128xi32, #tpu.memory_space<vmem>> -> memref<1x128xi32, #tpu.memory_space<vmem>>
    %dma_wait3A_145 = tpu.memref_squeeze %dma_wait3A_144 : memref<1x128xi32, #tpu.memory_space<vmem>> -> memref<128xi32, #tpu.memory_space<vmem>>
    %dma_wait3A_146 = arith.constant 0 : i32
    %dma_wait3A_147 = arith.constant 0 : i32
    %dma_wait3A_148 = tpu.memref_slice %arg2[%dma_wait3A_146, %dma_wait3A_147] : memref<1000000x64xf32, #tpu.memory_space<hbm>> -> memref<1000000x64xf32, #tpu.memory_space<hbm>>
    tpu.wait_indirect_dma semaphore(%arg20 : memref<!tpu.dma_semaphore, #tpu.memory_space<semaphore_mem>>) src(%dma_wait3A_148 : memref<1000000x64xf32, #tpu.memory_space<hbm>>) dst(%arg12 : memref<128x64xf32, #tpu.memory_space<vmem>>)
    %add3A_149 = arith.constant 25344 : i32
    %add3A_150 = arith.addi %mul3A_2, %add3A_149 : i32
    %dma_start3A_151 = arith.constant 0 : i32
    %dma_start3A_152 = tpu.memref_slice %arg4[%add3A_150, %dma_start3A_151] : memref<819200x64xf32, #tpu.memory_space<hbm>> -> memref<128x64xf32, #tpu.memory_space<hbm>>
    %dma_start3A_153 = arith.constant 0 : i32
    %dma_start3A_154 = tpu.memref_slice %arg4[%add3A_150, %dma_start3A_153] : memref<819200x64xf32, #tpu.memory_space<hbm>> -> memref<128x64xf32, #tpu.memory_space<hbm>>
    tpu.enqueue_dma source(%arg12 : memref<128x64xf32, #tpu.memory_space<vmem>>) target(%dma_start3A_154 : memref<128x64xf32, #tpu.memory_space<hbm>>) target_semaphore(%arg28 : memref<!tpu.dma_semaphore, #tpu.memory_space<semaphore_mem>>)
    %dma_wait3A_155 = arith.constant 199 : i32
    %dma_wait3A_156 = arith.constant 0 : i32
    %dma_wait3A_157 = tpu.memref_slice %arg5[%dma_wait3A_155, %dma_wait3A_156] : memref<200x128xi32, #tpu.memory_space<vmem>> -> memref<1x128xi32, #tpu.memory_space<vmem>>
    %dma_wait3A_158 = tpu.memref_squeeze %dma_wait3A_157 : memref<1x128xi32, #tpu.memory_space<vmem>> -> memref<128xi32, #tpu.memory_space<vmem>>
    %dma_wait3A_159 = arith.constant 0 : i32
    %dma_wait3A_160 = arith.constant 0 : i32
    %dma_wait3A_161 = tpu.memref_slice %arg2[%dma_wait3A_159, %dma_wait3A_160] : memref<1000000x64xf32, #tpu.memory_space<hbm>> -> memref<1000000x64xf32, #tpu.memory_space<hbm>>
    tpu.wait_indirect_dma semaphore(%arg21 : memref<!tpu.dma_semaphore, #tpu.memory_space<semaphore_mem>>) src(%dma_wait3A_161 : memref<1000000x64xf32, #tpu.memory_space<hbm>>) dst(%arg13 : memref<128x64xf32, #tpu.memory_space<vmem>>)
    %add3A_162 = arith.constant 25472 : i32
    %add3A_163 = arith.addi %mul3A_2, %add3A_162 : i32
    %dma_start3A_164 = arith.constant 0 : i32
    %dma_start3A_165 = tpu.memref_slice %arg4[%add3A_163, %dma_start3A_164] : memref<819200x64xf32, #tpu.memory_space<hbm>> -> memref<128x64xf32, #tpu.memory_space<hbm>>
    %dma_start3A_166 = arith.constant 0 : i32
    %dma_start3A_167 = tpu.memref_slice %arg4[%add3A_163, %dma_start3A_166] : memref<819200x64xf32, #tpu.memory_space<hbm>> -> memref<128x64xf32, #tpu.memory_space<hbm>>
    tpu.enqueue_dma source(%arg13 : memref<128x64xf32, #tpu.memory_space<vmem>>) target(%dma_start3A_167 : memref<128x64xf32, #tpu.memory_space<hbm>>) target_semaphore(%arg29 : memref<!tpu.dma_semaphore, #tpu.memory_space<semaphore_mem>>)
    %add3A_168 = arith.constant 24576 : i32
    %add3A_169 = arith.addi %mul3A_2, %add3A_168 : i32
    %dma_wait3A_170 = arith.constant 0 : i32
    %dma_wait3A_171 = tpu.memref_slice %arg4[%add3A_169, %dma_wait3A_170] : memref<819200x64xf32, #tpu.memory_space<hbm>> -> memref<128x64xf32, #tpu.memory_space<hbm>>
    %dma_wait3A_172 = arith.constant 0 : i32
    %dma_wait3A_173 = tpu.memref_slice %arg4[%add3A_169, %dma_wait3A_172] : memref<819200x64xf32, #tpu.memory_space<hbm>> -> memref<128x64xf32, #tpu.memory_space<hbm>>
    tpu.wait_dma2 semaphore(%arg22 : memref<!tpu.dma_semaphore, #tpu.memory_space<semaphore_mem>>) src(%arg6 : memref<128x64xf32, #tpu.memory_space<vmem>>) dst(%dma_wait3A_173 : memref<128x64xf32, #tpu.memory_space<hbm>>)
    %add3A_174 = arith.constant 24704 : i32
    %add3A_175 = arith.addi %mul3A_2, %add3A_174 : i32
    %dma_wait3A_176 = arith.constant 0 : i32
    %dma_wait3A_177 = tpu.memref_slice %arg4[%add3A_175, %dma_wait3A_176] : memref<819200x64xf32, #tpu.memory_space<hbm>> -> memref<128x64xf32, #tpu.memory_space<hbm>>
    %dma_wait3A_178 = arith.constant 0 : i32
    %dma_wait3A_179 = tpu.memref_slice %arg4[%add3A_175, %dma_wait3A_178] : memref<819200x64xf32, #tpu.memory_space<hbm>> -> memref<128x64xf32, #tpu.memory_space<hbm>>
    tpu.wait_dma2 semaphore(%arg23 : memref<!tpu.dma_semaphore, #tpu.memory_space<semaphore_mem>>) src(%arg7 : memref<128x64xf32, #tpu.memory_space<vmem>>) dst(%dma_wait3A_179 : memref<128x64xf32, #tpu.memory_space<hbm>>)
    %add3A_180 = arith.constant 24832 : i32
    %add3A_181 = arith.addi %mul3A_2, %add3A_180 : i32
    %dma_wait3A_182 = arith.constant 0 : i32
    %dma_wait3A_183 = tpu.memref_slice %arg4[%add3A_181, %dma_wait3A_182] : memref<819200x64xf32, #tpu.memory_space<hbm>> -> memref<128x64xf32, #tpu.memory_space<hbm>>
    %dma_wait3A_184 = arith.constant 0 : i32
    %dma_wait3A_185 = tpu.memref_slice %arg4[%add3A_181, %dma_wait3A_184] : memref<819200x64xf32, #tpu.memory_space<hbm>> -> memref<128x64xf32, #tpu.memory_space<hbm>>
    tpu.wait_dma2 semaphore(%arg24 : memref<!tpu.dma_semaphore, #tpu.memory_space<semaphore_mem>>) src(%arg8 : memref<128x64xf32, #tpu.memory_space<vmem>>) dst(%dma_wait3A_185 : memref<128x64xf32, #tpu.memory_space<hbm>>)
    %add3A_186 = arith.constant 24960 : i32
    %add3A_187 = arith.addi %mul3A_2, %add3A_186 : i32
    %dma_wait3A_188 = arith.constant 0 : i32
    %dma_wait3A_189 = tpu.memref_slice %arg4[%add3A_187, %dma_wait3A_188] : memref<819200x64xf32, #tpu.memory_space<hbm>> -> memref<128x64xf32, #tpu.memory_space<hbm>>
    %dma_wait3A_190 = arith.constant 0 : i32
    %dma_wait3A_191 = tpu.memref_slice %arg4[%add3A_187, %dma_wait3A_190] : memref<819200x64xf32, #tpu.memory_space<hbm>> -> memref<128x64xf32, #tpu.memory_space<hbm>>
    tpu.wait_dma2 semaphore(%arg25 : memref<!tpu.dma_semaphore, #tpu.memory_space<semaphore_mem>>) src(%arg9 : memref<128x64xf32, #tpu.memory_space<vmem>>) dst(%dma_wait3A_191 : memref<128x64xf32, #tpu.memory_space<hbm>>)
    %add3A_192 = arith.constant 25088 : i32
    %add3A_193 = arith.addi %mul3A_2, %add3A_192 : i32
    %dma_wait3A_194 = arith.constant 0 : i32
    %dma_wait3A_195 = tpu.memref_slice %arg4[%add3A_193, %dma_wait3A_194] : memref<819200x64xf32, #tpu.memory_space<hbm>> -> memref<128x64xf32, #tpu.memory_space<hbm>>
    %dma_wait3A_196 = arith.constant 0 : i32
    %dma_wait3A_197 = tpu.memref_slice %arg4[%add3A_193, %dma_wait3A_196] : memref<819200x64xf32, #tpu.memory_space<hbm>> -> memref<128x64xf32, #tpu.memory_space<hbm>>
    tpu.wait_dma2 semaphore(%arg26 : memref<!tpu.dma_semaphore, #tpu.memory_space<semaphore_mem>>) src(%arg10 : memref<128x64xf32, #tpu.memory_space<vmem>>) dst(%dma_wait3A_197 : memref<128x64xf32, #tpu.memory_space<hbm>>)
    %add3A_198 = arith.constant 25216 : i32
    %add3A_199 = arith.addi %mul3A_2, %add3A_198 : i32
    %dma_wait3A_200 = arith.constant 0 : i32
    %dma_wait3A_201 = tpu.memref_slice %arg4[%add3A_199, %dma_wait3A_200] : memref<819200x64xf32, #tpu.memory_space<hbm>> -> memref<128x64xf32, #tpu.memory_space<hbm>>
    %dma_wait3A_202 = arith.constant 0 : i32
    %dma_wait3A_203 = tpu.memref_slice %arg4[%add3A_199, %dma_wait3A_202] : memref<819200x64xf32, #tpu.memory_space<hbm>> -> memref<128x64xf32, #tpu.memory_space<hbm>>
    tpu.wait_dma2 semaphore(%arg27 : memref<!tpu.dma_semaphore, #tpu.memory_space<semaphore_mem>>) src(%arg11 : memref<128x64xf32, #tpu.memory_space<vmem>>) dst(%dma_wait3A_203 : memref<128x64xf32, #tpu.memory_space<hbm>>)
    %add3A_204 = arith.constant 25344 : i32
    %add3A_205 = arith.addi %mul3A_2, %add3A_204 : i32
    %dma_wait3A_206 = arith.constant 0 : i32
    %dma_wait3A_207 = tpu.memref_slice %arg4[%add3A_205, %dma_wait3A_206] : memref<819200x64xf32, #tpu.memory_space<hbm>> -> memref<128x64xf32, #tpu.memory_space<hbm>>
    %dma_wait3A_208 = arith.constant 0 : i32
    %dma_wait3A_209 = tpu.memref_slice %arg4[%add3A_205, %dma_wait3A_208] : memref<819200x64xf32, #tpu.memory_space<hbm>> -> memref<128x64xf32, #tpu.memory_space<hbm>>
    tpu.wait_dma2 semaphore(%arg28 : memref<!tpu.dma_semaphore, #tpu.memory_space<semaphore_mem>>) src(%arg12 : memref<128x64xf32, #tpu.memory_space<vmem>>) dst(%dma_wait3A_209 : memref<128x64xf32, #tpu.memory_space<hbm>>)
    %add3A_210 = arith.constant 25472 : i32
    %add3A_211 = arith.addi %mul3A_2, %add3A_210 : i32
    %dma_wait3A_212 = arith.constant 0 : i32
    %dma_wait3A_213 = tpu.memref_slice %arg4[%add3A_211, %dma_wait3A_212] : memref<819200x64xf32, #tpu.memory_space<hbm>> -> memref<128x64xf32, #tpu.memory_space<hbm>>
    %dma_wait3A_214 = arith.constant 0 : i32
    %dma_wait3A_215 = tpu.memref_slice %arg4[%add3A_211, %dma_wait3A_214] : memref<819200x64xf32, #tpu.memory_space<hbm>> -> memref<128x64xf32, #tpu.memory_space<hbm>>
    tpu.wait_dma2 semaphore(%arg29 : memref<!tpu.dma_semaphore, #tpu.memory_space<semaphore_mem>>) src(%arg13 : memref<128x64xf32, #tpu.memory_space<vmem>>) dst(%dma_wait3A_215 : memref<128x64xf32, #tpu.memory_space<hbm>>)
    return
  }
}

</mosaic_0001>

<sc_bundles>
// kernel: kernel.3.cloned.1.call-start
scs
__scs_entry_jumppad:
0x0: {  	(pc) =	sbr.rel $0x88, $3  }
0x1: {  	(tag) =	ssettag $0x0;
	lr =	simm.s32 $0x1  }
0x2: {  	[smem:$0x3F9F] =	sst lr;
	_ =	strace $0xD0000000  }
0x3: {  	_ = 	snop  }
0x4: {  	_ = 	snop  }
0x5: {  	_ = 	snop  }
0x6: {  	_ = 	snop  }
0x7: {  	_ = 	snop  }
__scs_overlays_trampoline_lowered:
0x8: {  	[smem:$0x3FAE] =	sst s0  }
0x9: {  	[smem:$0x3FAF] =	sst s1  }
0xa: {  	[smem:$0x3FB0] =	sst s2  }
0xb: {  	[smem:$0x3FB1] =	sst s3  }
0xc: {  	[smem:$0x3FB2] =	sst s4  }
0xd: {  	[smem:$0x3FB3] =	sst s5  }
0xe: {  	[smem:$0x3FB4] =	sst s6  }
0xf: {  	[smem:$0x3FB5] =	sst s7  }
0x10: {  	[smem:$0x3FB6] =	sst s8  }
0x11: {  	[smem:$0x3FB7] =	sst s9;
	s0 =	simm.s32 @!p0 $0x0  }
0x12: {  	s1 =	sld [smem:$0x3F9D];
	s0 =	simm.s32 @p0 $0x1  }
0x13: {  	[smem:$0x3FB8] =	sst s0;
	s0 =	simm.s32 @!p1 $0x0  }
0x14: {  	s2 =	sld [smem:$0x3F9C];
	s0 =	simm.s32 @p1 $0x1  }
0x15: {  	[smem:$0x3FB9] =	sst s0;
	s0 =	simm.s32 @!p2 $0x0  }
0x16: {  	s3 =	sld [smem:$0x3FDB];
	s0 =	simm.s32 @p2 $0x1  }
0x17: {  	s4 =	simm.s32 $0x1BF5;
	[smem:$0x3FBB] =	sst s0  }
0x18: {  	s0 =	sld [smem:$0x3F9E];
	_ =	swait.ge [sflag:s4], $0x0  }
0x19: {  	s7 =	sld [smem:$0x3F9F]  }
0x1a: {  	s8 =	sadd.s32 $0xFFFFE003, lr  }
0x1b: {  	s9 =	sadd.s32 $0xFFFFFEF7, lr;
	s5 =	simm.s32 $0xFFFFFFFF;
	p2 =	slt.u32 s8, $0xFFFFF086  }
0x1c: {  	p1 =	slt.u32 s9, $0xF7A;
	s5 =	simm.s32 @!p2 $0x0  }
0x1d: {  	s5 =	simm.s32 @p1 $0x1;
	p0 =	seq.s32 s7, s2  }
0x1e: {  	s7 =	smul.u32 @!p0 $0xF7A, s2;
	p2 =	seq.s32 @!p0 s5, $0x0  }
0x1f: {  	s9 =	smul.u32 $0xF7A, s1;
	s8 =	simm.s32 @!p0 $0x1BF5;
	p2 =	por !p2, p0  }
0x20: {  	[sflag:s8] =	ssyncset.s32 @!p0 $0xFFFFF086;
	s6 =	sadd.s32 @!p0 s3, s7;
	s7 =	simm.s32 @!p0 $0x108  }
0x21: {  	s3 =	sadd.s32 s3, s9;
	s6 =	sadd.s32 @!p0 $0x88, s6;
	s7 =	simm.s32 @p2 $0x1082  }
0x22: {  	[simem:s7], [sflag:s8] =	dma.local @!p0 [hbm:s6], $0xF7A  }
0x23: {  	s9 =	sor.u32 $0xD0000000, s2;
	s6 =	simm.s32 $0x108;
	_ =	swait.ge @!p0 [sflag:s8], $0x0  }
0x24: {  	s3 =	sadd.s32 $0x88, s3;
	s6 =	simm.s32 @!p1 $0x1082;
	[sflag:s4] =	ssyncset.s32 $0xFFFFF086  }
0x25: {  	[simem:s6], [sflag:s4] =	dma.local [hbm:s3], $0xF7A  }
0x26: {  	[smem:$0x3F9F] =	sst s1;
	(tag) =	ssettag s2;
	_ =	strace s9  }
0x27: {  	s1 =	sld [smem:$0x3FAF]  }
0x28: {  	s2 =	sld [smem:$0x3FB0]  }
0x29: {  	s4 =	sld [smem:$0x3FB2]  }
0x2a: {  	p0 =	seq.s32 s5, $0x0;
	s5 =	sld [smem:$0x3FB3]  }
0x2b: {  	s6 =	sld [smem:$0x3FB4]  }
0x2c: {  	s7 =	sld [smem:$0x3FB5]  }
0x2d: {  	s3 =	simm.s32 $0x108;
	s8 =	sld [smem:$0x3FB6]  }
0x2e: {  	s3 =	simm.s32 @!p0 $0x1082;
	s9 =	sld [smem:$0x3FB7]  }
0x2f: {  	lr =	sadd.s32 s0, s3;
	s0 =	sld [smem:$0x3FAE]  }
0x30: {  	s3 =	sld [smem:$0x3FB1]  }
0x31: {  	[smem:$0x3FBA] =	sst s10  }
0x32: {  	s10 =	sld [smem:$0x3FB8];
	_ =	sdelay $0x3  }
0x33: {  	p0 =	seq.s32 s10, $0x1;
	s10 =	sld [smem:$0x3FBA];
	_ =	sdelay $0x3  }
0x34: {  	[smem:$0x3FBA] =	sst s10  }
0x35: {  	s10 =	sld [smem:$0x3FB9];
	_ =	sdelay $0x3  }
0x36: {  	p1 =	seq.s32 s10, $0x1;
	s10 =	sld [smem:$0x3FBA];
	_ =	sdelay $0x3  }
0x37: {  	[smem:$0x3FBA] =	sst s10  }
0x38: {  	s10 =	sld [smem:$0x3FBB]  }
0x39: {  	_ = 	snop;
	(pc) =	sbr.ind lr, $3  }
0x3a: {  	_ = 	snop  }
0x3b: {  	_ = 	snop  }
0x3c: {  	p2 =	seq.s32 s10, $0x1;
	s10 =	sld [smem:$0x3FBA]  }
0x3d: {  	_ =	shalt  }
0x3e: {  	_ =	shalt  }
0x3f: {  	_ =	shalt  }
0x40: {  	_ =	shalt  }
0x41: {  	_ =	shalt  }
0x42: {  	_ =	shalt  }
0x43: {  	_ =	shalt  }
0x44: {  	_ =	shalt  }
0x45: {  	_ =	shalt  }
0x46: {  	_ =	shalt  }
0x47: {  	_ =	shalt  }
0x48: {  	_ =	shalt  }
0x49: {  	_ =	shalt  }
0x4a: {  	_ =	shalt  }
0x4b: {  	_ =	shalt  }
0x4c: {  	_ =	shalt  }
0x4d: {  	_ =	shalt  }
0x4e: {  	_ =	shalt  }
0x4f: {  	_ =	shalt  }
0x50: {  	_ =	shalt  }
0x51: {  	_ =	shalt  }
0x52: {  	_ =	shalt  }
0x53: {  	_ =	shalt  }
0x54: {  	_ =	shalt  }
0x55: {  	_ =	shalt  }
0x56: {  	_ =	shalt  }
0x57: {  	_ =	shalt  }
0x58: {  	_ =	shalt  }
0x59: {  	_ =	shalt  }
0x5a: {  	_ =	shalt  }
0x5b: {  	_ =	shalt  }
0x5c: {  	_ =	shalt  }
0x5d: {  	_ =	shalt  }
0x5e: {  	_ =	shalt  }
0x5f: {  	_ =	shalt  }
0x60: {  	_ =	shalt  }
0x61: {  	_ =	shalt  }
0x62: {  	_ =	shalt  }
0x63: {  	_ =	shalt  }
0x64: {  	_ =	shalt  }
0x65: {  	_ =	shalt  }
0x66: {  	_ =	shalt  }
0x67: {  	_ =	shalt  }
0x68: {  	_ =	shalt  }
0x69: {  	_ =	shalt  }
0x6a: {  	_ =	shalt  }
0x6b: {  	_ =	shalt  }
0x6c: {  	_ =	shalt  }
0x6d: {  	_ =	shalt  }
0x6e: {  	_ =	shalt  }
0x6f: {  	_ =	shalt  }
0x70: {  	_ =	shalt  }
0x71: {  	_ =	shalt  }
0x72: {  	_ =	shalt  }
0x73: {  	_ =	shalt  }
0x74: {  	_ =	shalt  }
0x75: {  	_ =	shalt  }
0x76: {  	_ =	shalt  }
0x77: {  	_ =	shalt  }
0x78: {  	_ =	shalt  }
0x79: {  	_ =	shalt  }
0x7a: {  	_ =	shalt  }
0x7b: {  	_ =	shalt  }
0x7c: {  	_ =	shalt  }
0x7d: {  	_ =	shalt  }
0x7e: {  	_ =	shalt  }
0x7f: {  	_ =	shalt  }
0x80: {  	_ =	shalt  }
0x81: {  	_ =	shalt  }
0x82: {  	_ =	shalt  }
0x83: {  	_ =	shalt  }
0x84: {  	_ =	shalt  }
0x85: {  	_ =	shalt  }
0x86: {  	_ =	shalt  }
0x87: {  	_ =	shalt  }
.Lfunc_end0:
.L_simem_size_0:
called_computation.1_lowered:
.L_overlay_start_0:
0x88: {  	s2 =	sld [smem:$0x3FD9]  }
0x89: {  	s3 =	sld [smem:$0x3FFE];
	_ =	sdelay $0x1  }
0x8a: {  	s1 =	srdreg.scid  }
0x8b: {  	s0 =	sand.u32 $0x1, s1  }
0x8c: {  	s17 =	sshll.u32 s0, $0xA;
	s2 =	sadd.s32 s3, s2  }
0x8d: {  	s2 =	sadd.s32 s2, s17  }
0x8e: {  	[smem:$0x3FC6] =	sst s2  }
0x8f: {  	_ = 	snop  }
0x90: {  	s2 =	sld [smem:$0x3FD0];
	(tm) =	ssettm $0x1  }
0x91: {  	s18 =	sld [smem:$0x3FFB];
	_ =	sdelay $0x3  }
0x92: {  	_ =	strace s18  }
0x93: {  	s3 =	sld [smem:$0x3FFC];
	_ =	sdelay $0x3  }
0x94: {  	_ =	strace s3  }
0x95: {  	s3 =	sld [smem:$0x3FFD];
	_ =	sdelay $0x3  }
0x96: {  	_ =	strace s3  }
0x97: {  	_ =	strace $0x8FFFFFFF  }
0x98: {  	s19 =	sld [smem:$0x3FDB];
	_ =	sdelay $0x1  }
0x99: {  	s4 =	simm.s32 $_scs_section_size  }
0x9a: {  	s5 =	simm.s32 $_size__tile_overlayer_lowered;
	s6 =	simm.s32 $_tile_overlayer_lowered  }
0x9b: {  	s22 =	simm.s32 $0x1BFF;
	s21 =	sshll.u32 s6, $0x1;
	s3 =	sadd.s32 s4, s19  }
0x9c: {  	s7 =	simm.s32 $0x0;
	s20 =	sshll.u32 s5, $0x1;
	s5 =	sadd.s32 s21, s3  }
0x9d: {  	[timem:s7], [sflag:s22] =	dma.local [hbm:s5], s20  }
0x9e: {  	_ =	swait.ge [sflag:s22], s20  }
0x9f: {  	s4 =	ssub.s32 $0x0, s20;
	[sflag:s22] =	ssyncset.done $0x0  }
0xa0: {  	[sflag:s22] =	ssyncadd.s32 s4;
	_ =	sdelay $0x1  }
0xa1: {  	s23 =	simm.s32 $0x1B8B  }
0xa2: {  	_ =	swait.ge [sflag:s23], $0x1  }
0xa3: {  	[sflag:s23] =	ssyncset.done $0x0  }
0xa4: {  	s25 =	simm.s32 $0x1B8E;
	s24 =	sld [smem:$0x3FFE];
	[sflag:s23] =	ssyncadd.s32 $0xFFFFFFFF  }
0xa5: {  	s26 =	simm.s32 $execute0_lowered;
	[smem:$0x3FD2] =	sst s25  }
0xa6: {  	s5 =	sshll.u32 s26, $0x1;
	_ =	strace $0x80000046;
	[dreg:$0x1] =	wrdreg $0xFFFFFFFF  }
0xa7: {  	s28 =	simm.s32 $_size_execute0_lowered;
	s3 =	sadd.s32 s3, s5;
	[dreg:$0x0] =	wrdreg $0x0  }
0xa8: {  	s5 =	sshll.u32 s28, $0x1;
	[dreg:$0x2] =	wrdreg s3  }
0xa9: {  	[dreg:$0x3] =	wrdreg s5  }
0xaa: {  	[dreg:$0x4] =	wrdreg $0xC0  }
0xab: {  	_ =	task [dreg:s7], $0x5FFFF  }
0xac: {  	[dreg:$0x1] =	wrdreg $0xFFFFFFFF  }
0xad: {  	[dreg:$0x0] =	wrdreg $0x60  }
0xae: {  	[dreg:$0x2] =	wrdreg s24  }
0xaf: {  	[dreg:$0x3] =	wrdreg s2  }
0xb0: {  	[dreg:$0x4] =	wrdreg $0x9  }
0xb1: {  	_ =	task.clear_ibuf [dreg:s7], $0x5FFFF;
	_ =	strace $0x90000046  }
0xb2: {  	s29 =	simm.s32 $0x9;
	_ =	strace $0x80000048  }
0xb3: {  	_ =	swait.ge [sflag:s29], $0x1  }
0xb4: {  	[sflag:s29] =	ssyncadd.s32 $0xFFFFFFFF  }
0xb5: {  	_ =	strace $0x90000048  }
0xb6: {  	_ =	sfence  }
0xb7: {  	s30 =	sld [smem:$0x0];
	_ =	sdelay $0x2  }
0xb8: {  	s31 =	sshll.u32 s1, $0xD;
	s1 =	sshrl.u32 s1, $0x2  }
0xb9: {  	s3 =	sand.u32 $0x4000, s31;
	s1 =	sadd.s32 s1, s30  }
0xba: {  	s0 =	sor.u32 s3, s0;
	s1 =	sshll.u32 s1, $0x11  }
0xbb: {  	s0 =	sor.u32 s1, s0  }
0xbc: {  	s0 =	sadd.s32 $0x8F2B, s0  }
0xbd: {  	[sflag:s0] =	ssyncadd.remote.s32 $0x1  }
0xbe: {  	_ =	sfence.sel $0xFFFF  }
0xbf: {  	[dreg:$0x0] =	wrdreg $0xFFFFFFFF;
	(pc) =	sbr.abs _section_cstart, $3  }
0xc0: {  	[dreg:$0x1] =	wrdreg $0xFFFFFFFF  }
0xc1: {  	_ =	task.clear_ibuf [dreg:s7], $0x2FFFF;
	_ =	strace $0x9FFFFFFF  }
0xc2: {  	(tm) =	ssettm $0x7FFFFFFF  }
0xc3: {  	_ =	shalt  }
tec
execute0_lowered:
.L_overlay_start_1:
0x0: {  	(tag) =	ssettag $0x1  }
0x1: {  	s0 =	srdreg.scid;
	s3 =	stileid.u32  }
0x2: {  	s4 =	rddreg [dreg:$0x0];
	s7 =	smul.u32 $0x320000, s3  }
0x3: {  	s5 =	rddreg [dreg:$0x1];
	s0 =	sand.u32 $0x1, s0;
	s10 =	smul.u32 $0xC800, s3  }
0x4: {  	s2 =	simm.s32 $0x0;
	s1 =	sshll.u32 s3, $0x1;
	s8 =	smul.u32 $0x190000, s0  }
0x5: {  	s1 =	sor.u32 s0, s1;
	s9 =	ssub.s32 $0x2, s0;
	s0 =	smul.u32 $0x6400, s0  }
0x6: {  	[smem:$0x7FF] =	sst s2;
	s6 =	smul.u32 $0xC80, s1  }
0x7: {  	s3 =	sadd.s32 $0xF42E00, s4;
	s11 =	sshrl.u32 s9, $0x1;
	s1 =	smul.u32 $0x190000, s1  }
0x8: {  	_ =	strace $0x80000047;
	s12 =	ssub.s32 s9, s11;
	s0 =	sadd.s32 s0, s10  }
0x9: {  	s4 =	sadd.s32 s6, s4;
	s1 =	sshrl.u32 s1, $0x3;
	s28 =	smax.u32 s12, $0x1  }
0xa: {  	s4 =	sadd.s32 $0xA00, s4;
	s1 =	sadd.s32 s5, s1;
	[dreg:$0x14] =	wrdreg s28  }
0xb: {  	s0 =	sshll.u32 s0, $0x3;
	[dreg:$0xb] =	wrdreg s4;
	s14 =	sadd.s32 $0x30000, s1  }
0xc: {  	s0 =	sadd.s32 s0, s5;
	s16 =	sadd.s32 $0x30400, s1;
	[dreg:$0xc] =	wrdreg s14  }
0xd: {  	s15 =	sadd.s32 $0x1C00, s0;
	[dreg:$0xd] =	wrdreg s16  }
0xe: {  	s29 =	simm.s32 $0x9;
	s18 =	sadd.s32 $0x30800, s1;
	[dreg:$0x4] =	wrdreg s15  }
0xf: {  	s31 =	simm.s32 $0x14400;
	s17 =	sadd.s32 $0x1800, s0;
	[dreg:$0xe] =	wrdreg s18  }
0x10: {  	s30 =	simm.s32 $0x12400;
	s20 =	sadd.s32 $0x30C00, s1;
	[dreg:$0x5] =	wrdreg s17  }
0x11: {  	s13 =	sadd.s32 s8, s7;
	s19 =	sadd.s32 $0x1400, s0;
	[dreg:$0xf] =	wrdreg s20  }
0x12: {  	s7 =	simm.s32 $0xD;
	s22 =	sadd.s32 $0x31000, s1;
	[dreg:$0x6] =	wrdreg s19  }
0x13: {  	s8 =	simm.s32 $0xE;
	s21 =	sadd.s32 $0x1000, s0;
	[dreg:$0x10] =	wrdreg s22  }
0x14: {  	s9 =	simm.s32 $0xF;
	s24 =	sadd.s32 $0x31400, s1;
	[dreg:$0x7] =	wrdreg s21  }
0x15: {  	s10 =	simm.s32 $0x10;
	s23 =	sadd.s32 $0xC00, s0;
	[dreg:$0x11] =	wrdreg s24  }
0x16: {  	s6 =	simm.s32 $0xC;
	s26 =	sadd.s32 $0x31800, s1;
	[dreg:$0x8] =	wrdreg s23  }
0x17: {  	s12 =	simm.s32 $0x0;
	s25 =	sadd.s32 $0x800, s0;
	[dreg:$0x12] =	wrdreg s26  }
0x18: {  	s4 =	sshrl.u32 s13, $0x3;
	s1 =	sadd.s32 $0x31C00, s1;
	[dreg:$0x9] =	wrdreg s25  }
0x19: {  	s0 =	sadd.s32 $0x400, s0;
	s4 =	sadd.s32 s4, s5;
	[dreg:$0x13] =	wrdreg s1  }
0x1a: {  	[dreg:$0xa] =	wrdreg s0;
	s15 =	simm.s32 $0x80;
	s1 =	simm.s32 $0x2  }
0x1b: {  	s0 =	simm.s32 $0x3;
	s18 =	simm.s32 $0x4;
	s20 =	simm.s32 $0x5  }
0x1c: {  	s22 =	simm.s32 $0x6;
	s24 =	simm.s32 $0x7;
	s26 =	simm.s32 $0x8  }
0x1d: {  	s5 =	simm.s32 $0xB;
	[dreg:$0x3] =	wrdreg s4;
	s4 =	simm.s32 $0xA  }
.LBB2_1:
0x1e: {  	[dreg:$0x15] =	wrdreg s12  }
0x1f: {  	s11 =	rddreg [dreg:$0xb];
	s14 =	simm.s32 $0x11  }
0x20: {  	[tilespmem:s2], [sflag:$0x11] =	stream.linear.gather [hbm4b:s11+s2], $0x6400, $0x38;
	[tilespmem:$0x16400] =	vst v63  }
0x21: {  	_ =	swait.ge [sflag:s14], $0x6400  }
0x22: {  	[sflag:s14] =	ssyncset.done $0x0  }
0x23: {  	s12 =	simm.s32 $0x6400;
	[sflag:s14] =	ssyncadd.s32 $0xFFFF9C00  }
0x24: {  	[tilespmem:s12], [sflag:$0x1] =	stream.indirect.gather [hbm4b:s3+s15], $0x40, s2, s15, $0xb8;
	[tilespmem:$0x16400] =	vst v63  }
0x25: {  	s13 =	simm.s32 $0x8400  }
0x26: {  	[tilespmem:s13], [sflag:$0x2] =	stream.indirect.gather [hbm4b:s3+s15], $0x40, s15, s15, $0xb8;
	[tilespmem:$0x16400] =	vst v63  }
0x27: {  	s16 =	simm.s32 $0x100;
	s14 =	simm.s32 $0xA400  }
0x28: {  	[tilespmem:s14], [sflag:$0x3] =	stream.indirect.gather [hbm4b:s3+s15], $0x40, s16, s15, $0xb8;
	[tilespmem:$0x16400] =	vst v63  }
0x29: {  	s17 =	simm.s32 $0x180;
	s16 =	simm.s32 $0xC400  }
0x2a: {  	[tilespmem:s16], [sflag:$0x4] =	stream.indirect.gather [hbm4b:s3+s15], $0x40, s17, s15, $0xb8;
	[tilespmem:$0x16400] =	vst v63  }
0x2b: {  	s19 =	simm.s32 $0x200;
	s17 =	simm.s32 $0xE400  }
0x2c: {  	[tilespmem:s17], [sflag:$0x5] =	stream.indirect.gather [hbm4b:s3+s15], $0x40, s19, s15, $0xb8;
	[tilespmem:$0x16400] =	vst v63  }
0x2d: {  	s21 =	simm.s32 $0x280;
	s19 =	simm.s32 $0x10400  }
0x2e: {  	[tilespmem:s19], [sflag:$0x6] =	stream.indirect.gather [hbm4b:s3+s15], $0x40, s21, s15, $0xb8;
	[tilespmem:$0x16400] =	vst v63  }
0x2f: {  	s23 =	simm.s32 $0x300;
	s21 =	simm.s32 $0x12400  }
0x30: {  	[tilespmem:s21], [sflag:$0x7] =	stream.indirect.gather [hbm4b:s3+s15], $0x40, s23, s15, $0xb8;
	[tilespmem:$0x16400] =	vst v63  }
0x31: {  	s25 =	simm.s32 $0x380;
	s23 =	simm.s32 $0x14400  }
0x32: {  	[tilespmem:s23], [sflag:$0x8] =	stream.indirect.gather [hbm4b:s3+s15], $0x40, s25, s15, $0xb8;
	[tilespmem:$0x16400] =	vst v63  }
0x33: {  	s25 =	simm.s32 $0x1  }
0x34: {  	_ =	swait.ge [sflag:s25], $0x2000  }
0x35: {  	s28 =	rddreg [dreg:$0x3];
	[sflag:s25] =	ssyncset.done $0x0  }
0x36: {  	[sflag:s25] =	ssyncadd.s32 $0xFFFFE000;
	s11 =	sadd.s32 $0x0, s28  }
0x37: {  	[hbm4b:s11+s2] =	stream.linear.scatter [tilespmem:s12], [sflag:$0x9], $0x2000, $0x38;
	[tilespmem:$0x16400] =	vst v63  }
0x38: {  	_ =	swait.ge [sflag:s1], $0x2000  }
0x39: {  	s25 =	rddreg [dreg:$0xa];
	[sflag:s1] =	ssyncset.done $0x0  }
0x3a: {  	[sflag:s1] =	ssyncadd.s32 $0xFFFFE000;
	s11 =	sadd.s32 $0x0, s25  }
0x3b: {  	[hbm4b:s11+s2] =	stream.linear.scatter [tilespmem:s13], [sflag:$0xA], $0x2000, $0x38;
	[tilespmem:$0x16400] =	vst v63  }
0x3c: {  	_ =	swait.ge [sflag:s0], $0x2000  }
0x3d: {  	s28 =	rddreg [dreg:$0x9];
	[sflag:s0] =	ssyncset.done $0x0  }
0x3e: {  	[sflag:s0] =	ssyncadd.s32 $0xFFFFE000;
	s11 =	sadd.s32 $0x0, s28  }
0x3f: {  	[hbm4b:s11+s2] =	stream.linear.scatter [tilespmem:s14], [sflag:$0xB], $0x2000, $0x38;
	[tilespmem:$0x16400] =	vst v63  }
0x40: {  	_ =	swait.ge [sflag:s18], $0x2000  }
0x41: {  	s25 =	rddreg [dreg:$0x8];
	[sflag:s18] =	ssyncset.done $0x0  }
0x42: {  	[sflag:s18] =	ssyncadd.s32 $0xFFFFE000;
	s11 =	sadd.s32 $0x0, s25  }
0x43: {  	[hbm4b:s11+s2] =	stream.linear.scatter [tilespmem:s16], [sflag:$0xC], $0x2000, $0x38;
	[tilespmem:$0x16400] =	vst v63  }
0x44: {  	_ =	swait.ge [sflag:s20], $0x2000  }
0x45: {  	s28 =	rddreg [dreg:$0x7];
	[sflag:s20] =	ssyncset.done $0x0  }
0x46: {  	[sflag:s20] =	ssyncadd.s32 $0xFFFFE000;
	s11 =	sadd.s32 $0x0, s28  }
0x47: {  	[hbm4b:s11+s2] =	stream.linear.scatter [tilespmem:s17], [sflag:$0xD], $0x2000, $0x38;
	[tilespmem:$0x16400] =	vst v63  }
0x48: {  	_ =	swait.ge [sflag:s22], $0x2000  }
0x49: {  	s25 =	rddreg [dreg:$0x6];
	[sflag:s22] =	ssyncset.done $0x0  }
0x4a: {  	[sflag:s22] =	ssyncadd.s32 $0xFFFFE000;
	s11 =	sadd.s32 $0x0, s25  }
0x4b: {  	[hbm4b:s11+s2] =	stream.linear.scatter [tilespmem:s19], [sflag:$0xE], $0x2000, $0x38;
	[tilespmem:$0x16400] =	vst v63  }
0x4c: {  	_ =	swait.ge [sflag:s24], $0x2000  }
0x4d: {  	s28 =	rddreg [dreg:$0x5];
	[sflag:s24] =	ssyncset.done $0x0  }
0x4e: {  	[sflag:s24] =	ssyncadd.s32 $0xFFFFE000;
	s11 =	sadd.s32 $0x0, s28  }
0x4f: {  	[hbm4b:s11+s2] =	stream.linear.scatter [tilespmem:s21], [sflag:$0xF], $0x2000, $0x38;
	[tilespmem:$0x16400] =	vst v63  }
0x50: {  	_ =	swait.ge [sflag:s26], $0x2000  }
0x51: {  	s25 =	rddreg [dreg:$0x4];
	[sflag:s26] =	ssyncset.done $0x0  }
0x52: {  	[sflag:s26] =	ssyncadd.s32 $0xFFFFE000;
	s11 =	sadd.s32 $0x0, s25  }
0x53: {  	[hbm4b:s11+s2] =	stream.linear.scatter [tilespmem:s23], [sflag:$0x10], $0x2000, $0x38;
	[tilespmem:$0x16400] =	vst v63  }
0x54: {  	_ =	swait.ge [sflag:s29], $0x2000  }
0x55: {  	[sflag:s29] =	ssyncset.done $0x0  }
0x56: {  	s28 =	simm.s32 $0x400;
	[sflag:s29] =	ssyncadd.s32 $0xFFFFE000  }
0x57: {  	[tilespmem:s12], [sflag:$0x1] =	stream.indirect.gather [hbm4b:s3+s15], $0x40, s28, s15, $0xb8;
	[tilespmem:$0x16400] =	vst v63  }
0x58: {  	_ =	swait.ge [sflag:s4], $0x2000  }
0x59: {  	[sflag:s4] =	ssyncset.done $0x0  }
0x5a: {  	s12 =	simm.s32 $0x480;
	[sflag:s4] =	ssyncadd.s32 $0xFFFFE000  }
0x5b: {  	[tilespmem:s13], [sflag:$0x2] =	stream.indirect.gather [hbm4b:s3+s15], $0x40, s12, s15, $0xb8;
	[tilespmem:$0x16400] =	vst v63  }
0x5c: {  	_ =	swait.ge [sflag:s5], $0x2000  }
0x5d: {  	[sflag:s5] =	ssyncset.done $0x0  }
0x5e: {  	s13 =	simm.s32 $0x500;
	[sflag:s5] =	ssyncadd.s32 $0xFFFFE000  }
0x5f: {  	[tilespmem:s14], [sflag:$0x3] =	stream.indirect.gather [hbm4b:s3+s15], $0x40, s13, s15, $0xb8;
	[tilespmem:$0x16400] =	vst v63  }
0x60: {  	_ =	swait.ge [sflag:s6], $0x2000  }
0x61: {  	[sflag:s6] =	ssyncset.done $0x0  }
0x62: {  	s14 =	simm.s32 $0x580;
	[sflag:s6] =	ssyncadd.s32 $0xFFFFE000  }
0x63: {  	[tilespmem:s16], [sflag:$0x4] =	stream.indirect.gather [hbm4b:s3+s15], $0x40, s14, s15, $0xb8;
	[tilespmem:$0x16400] =	vst v63  }
0x64: {  	_ =	swait.ge [sflag:s7], $0x2000  }
0x65: {  	[sflag:s7] =	ssyncset.done $0x0  }
0x66: {  	s23 =	simm.s32 $0x600;
	[sflag:s7] =	ssyncadd.s32 $0xFFFFE000  }
0x67: {  	[tilespmem:s17], [sflag:$0x5] =	stream.indirect.gather [hbm4b:s3+s15], $0x40, s23, s15, $0xb8;
	[tilespmem:$0x16400] =	vst v63  }
0x68: {  	_ =	swait.ge [sflag:s8], $0x2000  }
0x69: {  	[sflag:s8] =	ssyncset.done $0x0  }
0x6a: {  	s25 =	simm.s32 $0x680;
	[sflag:s8] =	ssyncadd.s32 $0xFFFFE000  }
0x6b: {  	[tilespmem:s19], [sflag:$0x6] =	stream.indirect.gather [hbm4b:s3+s15], $0x40, s25, s15, $0xb8;
	[tilespmem:$0x16400] =	vst v63  }
0x6c: {  	_ =	swait.ge [sflag:s9], $0x2000  }
0x6d: {  	[sflag:s9] =	ssyncset.done $0x0  }
0x6e: {  	s28 =	simm.s32 $0x700;
	[sflag:s9] =	ssyncadd.s32 $0xFFFFE000  }
0x6f: {  	[tilespmem:s21], [sflag:$0x7] =	stream.indirect.gather [hbm4b:s3+s15], $0x40, s28, s15, $0xb8;
	[tilespmem:$0x16400] =	vst v63  }
0x70: {  	_ =	swait.ge [sflag:s10], $0x2000  }
0x71: {  	s12 =	simm.s32 $0x780;
	[sflag:s10] =	ssyncset.done $0x0  }
0x72: {  	s13 =	simm.s32 $0x2000;
	s14 =	simm.s32 $0xB80;
	[sflag:s10] =	ssyncadd.s32 $0xFFFFE000  }
.LBB2_2:
0x73: {  	[tilespmem:s31], [sflag:$0x8] =	stream.indirect.gather [hbm4b:s3+s15], $0x40, s12, s15, $0xb8;
	[tilespmem:$0x16400] =	vst v63  }
0x74: {  	s17 =	simm.s32 $0x1  }
0x75: {  	_ =	swait.ge [sflag:s17], $0x2000  }
0x76: {  	s11 =	smov.u32 s13;
	s16 =	rddreg [dreg:$0x3];
	[sflag:s17] =	ssyncset.done $0x0  }
0x77: {  	[sflag:s17] =	ssyncadd.s32 $0xFFFFE000;
	s16 =	sadd.s32 s11, s16;
	s17 =	simm.s32 $0x6400  }
0x78: {  	[hbm4b:s16+s2] =	stream.linear.scatter [tilespmem:s17], [sflag:$0x9], $0x2000, $0x38;
	[tilespmem:$0x16400] =	vst v63  }
0x79: {  	_ =	swait.ge [sflag:s1], $0x2000  }
0x7a: {  	s19 =	rddreg [dreg:$0xa];
	[sflag:s1] =	ssyncset.done $0x0  }
0x7b: {  	[sflag:s1] =	ssyncadd.s32 $0xFFFFE000;
	s16 =	sadd.s32 s11, s19;
	s19 =	simm.s32 $0x8400  }
0x7c: {  	[hbm4b:s16+s2] =	stream.linear.scatter [tilespmem:s19], [sflag:$0xA], $0x2000, $0x38;
	[tilespmem:$0x16400] =	vst v63  }
0x7d: {  	_ =	swait.ge [sflag:s0], $0x2000  }
0x7e: {  	s21 =	rddreg [dreg:$0x9];
	[sflag:s0] =	ssyncset.done $0x0  }
0x7f: {  	[sflag:s0] =	ssyncadd.s32 $0xFFFFE000;
	s16 =	sadd.s32 s11, s21;
	s21 =	simm.s32 $0xA400  }
0x80: {  	[hbm4b:s16+s2] =	stream.linear.scatter [tilespmem:s21], [sflag:$0xB], $0x2000, $0x38;
	[tilespmem:$0x16400] =	vst v63  }
0x81: {  	_ =	swait.ge [sflag:s18], $0x2000  }
0x82: {  	s23 =	rddreg [dreg:$0x8];
	[sflag:s18] =	ssyncset.done $0x0  }
0x83: {  	[sflag:s18] =	ssyncadd.s32 $0xFFFFE000;
	s16 =	sadd.s32 s11, s23;
	s23 =	simm.s32 $0xC400  }
0x84: {  	[hbm4b:s16+s2] =	stream.linear.scatter [tilespmem:s23], [sflag:$0xC], $0x2000, $0x38;
	[tilespmem:$0x16400] =	vst v63  }
0x85: {  	_ =	swait.ge [sflag:s20], $0x2000  }
0x86: {  	s25 =	rddreg [dreg:$0x7];
	[sflag:s20] =	ssyncset.done $0x0  }
0x87: {  	[sflag:s20] =	ssyncadd.s32 $0xFFFFE000;
	s16 =	sadd.s32 s11, s25;
	s25 =	simm.s32 $0xE400  }
0x88: {  	[hbm4b:s16+s2] =	stream.linear.scatter [tilespmem:s25], [sflag:$0xD], $0x2000, $0x38;
	[tilespmem:$0x16400] =	vst v63  }
0x89: {  	_ =	swait.ge [sflag:s22], $0x2000  }
0x8a: {  	s16 =	rddreg [dreg:$0x6];
	[sflag:s22] =	ssyncset.done $0x0  }
0x8b: {  	s28 =	simm.s32 $0x10400;
	[sflag:s22] =	ssyncadd.s32 $0xFFFFE000;
	s16 =	sadd.s32 s11, s16  }
0x8c: {  	[hbm4b:s16+s2] =	stream.linear.scatter [tilespmem:s28], [sflag:$0xE], $0x2000, $0x38;
	[tilespmem:$0x16400] =	vst v63  }
0x8d: {  	_ =	swait.ge [sflag:s24], $0x2000  }
0x8e: {  	s16 =	rddreg [dreg:$0x5];
	[sflag:s24] =	ssyncset.done $0x0  }
0x8f: {  	[sflag:s24] =	ssyncadd.s32 $0xFFFFE000;
	s16 =	sadd.s32 s11, s16  }
0x90: {  	[hbm4b:s16+s2] =	stream.linear.scatter [tilespmem:s30], [sflag:$0xF], $0x2000, $0x38;
	[tilespmem:$0x16400] =	vst v63  }
0x91: {  	_ =	swait.ge [sflag:s26], $0x2000  }
0x92: {  	s16 =	rddreg [dreg:$0x4];
	[sflag:s26] =	ssyncset.done $0x0  }
0x93: {  	[sflag:s26] =	ssyncadd.s32 $0xFFFFE000;
	s11 =	sadd.s32 s11, s16  }
0x94: {  	[hbm4b:s11+s2] =	stream.linear.scatter [tilespmem:s31], [sflag:$0x10], $0x2000, $0x38;
	[tilespmem:$0x16400] =	vst v63  }
0x95: {  	_ =	swait.ge [sflag:s29], $0x2000  }
0x96: {  	[sflag:s29] =	ssyncset.done $0x0  }
0x97: {  	s11 =	sadd.s32 $0xFFFFFC80, s14;
	[sflag:s29] =	ssyncadd.s32 $0xFFFFE000  }
0x98: {  	[tilespmem:s17], [sflag:$0x1] =	stream.indirect.gather [hbm4b:s3+s15], $0x40, s11, s15, $0xb8;
	[tilespmem:$0x16400] =	vst v63  }
0x99: {  	_ =	swait.ge [sflag:s4], $0x2000  }
0x9a: {  	[sflag:s4] =	ssyncset.done $0x0  }
0x9b: {  	s11 =	sadd.s32 $0xFFFFFD00, s14;
	[sflag:s4] =	ssyncadd.s32 $0xFFFFE000  }
0x9c: {  	[tilespmem:s19], [sflag:$0x2] =	stream.indirect.gather [hbm4b:s3+s15], $0x40, s11, s15, $0xb8;
	[tilespmem:$0x16400] =	vst v63  }
0x9d: {  	_ =	swait.ge [sflag:s5], $0x2000  }
0x9e: {  	[sflag:s5] =	ssyncset.done $0x0  }
0x9f: {  	s11 =	sadd.s32 $0xFFFFFD80, s14;
	[sflag:s5] =	ssyncadd.s32 $0xFFFFE000  }
0xa0: {  	[tilespmem:s21], [sflag:$0x3] =	stream.indirect.gather [hbm4b:s3+s15], $0x40, s11, s15, $0xb8;
	[tilespmem:$0x16400] =	vst v63  }
0xa1: {  	_ =	swait.ge [sflag:s6], $0x2000  }
0xa2: {  	[sflag:s6] =	ssyncset.done $0x0  }
0xa3: {  	s11 =	sadd.s32 $0xFFFFFE00, s14;
	[sflag:s6] =	ssyncadd.s32 $0xFFFFE000  }
0xa4: {  	[tilespmem:s23], [sflag:$0x4] =	stream.indirect.gather [hbm4b:s3+s15], $0x40, s11, s15, $0xb8;
	[tilespmem:$0x16400] =	vst v63  }
0xa5: {  	_ =	swait.ge [sflag:s7], $0x2000  }
0xa6: {  	[sflag:s7] =	ssyncset.done $0x0  }
0xa7: {  	s11 =	sadd.s32 $0xFFFFFE80, s14;
	[sflag:s7] =	ssyncadd.s32 $0xFFFFE000  }
0xa8: {  	[tilespmem:s25], [sflag:$0x5] =	stream.indirect.gather [hbm4b:s3+s15], $0x40, s11, s15, $0xb8;
	[tilespmem:$0x16400] =	vst v63  }
0xa9: {  	_ =	swait.ge [sflag:s8], $0x2000  }
0xaa: {  	[sflag:s8] =	ssyncset.done $0x0  }
0xab: {  	s12 =	smov.u32 s14;
	s11 =	sadd.s32 $0xFFFFFF00, s14;
	[sflag:s8] =	ssyncadd.s32 $0xFFFFE000  }
0xac: {  	[tilespmem:s28], [sflag:$0x6] =	stream.indirect.gather [hbm4b:s3+s15], $0x40, s11, s15, $0xb8;
	[tilespmem:$0x16400] =	vst v63  }
0xad: {  	p0 =	sne.s32 s13, $0x2E000;
	s13 =	sadd.s32 $0x2000, s13;
	_ =	swait.ge [sflag:s9], $0x2000  }
0xae: {  	s16 =	simm.s32 $0x6400;
	s17 =	simm.s32 $0x8400;
	[sflag:s9] =	ssyncset.done $0x0  }
.Ltmp0:
0xaf: {  	s11 =	sadd.s32 $0xFFFFFF80, s14;
	[sflag:s9] =	ssyncadd.s32 $0xFFFFE000;
	(pc) =	sbr.rel @p0 .LBB2_2-.Ltmp0, $4  }
0xb0: {  	[tilespmem:s30], [sflag:$0x7] =	stream.indirect.gather [hbm4b:s3+s15], $0x40, s11, s15, $0xb8;
	[tilespmem:$0x16400] =	vst v63  }
0xb1: {  	s19 =	simm.s32 $0xA400;
	s21 =	simm.s32 $0xC400;
	_ =	swait.ge [sflag:s10], $0x2000  }
0xb2: {  	s23 =	simm.s32 $0xE400;
	s25 =	simm.s32 $0x10400;
	[sflag:s10] =	ssyncset.done $0x0  }
0xb3: {  	s28 =	simm.s32 $0x12400;
	s14 =	sadd.s32 $0x400, s14;
	[sflag:s10] =	ssyncadd.s32 $0xFFFFE000  }
0xb4: {  	s13 =	simm.s32 $0x14400;
	s11 =	simm.s32 $0x1  }
0xb5: {  	[tilespmem:s13], [sflag:$0x8] =	stream.indirect.gather [hbm4b:s3+s15], $0x40, s12, s15, $0xb8;
	[tilespmem:$0x16400] =	vst v63  }
0xb6: {  	_ =	swait.ge [sflag:s11], $0x2000  }
0xb7: {  	[sflag:s11] =	ssyncset.done $0x0  }
0xb8: {  	s14 =	rddreg [dreg:$0xc];
	[sflag:s11] =	ssyncadd.s32 $0xFFFFE000  }
0xb9: {  	[hbm4b:s14+s2] =	stream.linear.scatter [tilespmem:s16], [sflag:$0x9], $0x2000, $0x38;
	[tilespmem:$0x16400] =	vst v63  }
0xba: {  	_ =	swait.ge [sflag:s1], $0x2000  }
0xbb: {  	[sflag:s1] =	ssyncset.done $0x0  }
0xbc: {  	s12 =	rddreg [dreg:$0xd];
	[sflag:s1] =	ssyncadd.s32 $0xFFFFE000  }
0xbd: {  	[hbm4b:s12+s2] =	stream.linear.scatter [tilespmem:s17], [sflag:$0xA], $0x2000, $0x38;
	[tilespmem:$0x16400] =	vst v63  }
0xbe: {  	_ =	swait.ge [sflag:s0], $0x2000  }
0xbf: {  	[sflag:s0] =	ssyncset.done $0x0  }
0xc0: {  	s14 =	rddreg [dreg:$0xe];
	[sflag:s0] =	ssyncadd.s32 $0xFFFFE000  }
0xc1: {  	[hbm4b:s14+s2] =	stream.linear.scatter [tilespmem:s19], [sflag:$0xB], $0x2000, $0x38;
	[tilespmem:$0x16400] =	vst v63  }
0xc2: {  	_ =	swait.ge [sflag:s18], $0x2000  }
0xc3: {  	[sflag:s18] =	ssyncset.done $0x0  }
0xc4: {  	s16 =	rddreg [dreg:$0xf];
	[sflag:s18] =	ssyncadd.s32 $0xFFFFE000  }
0xc5: {  	[hbm4b:s16+s2] =	stream.linear.scatter [tilespmem:s21], [sflag:$0xC], $0x2000, $0x38;
	[tilespmem:$0x16400] =	vst v63  }
0xc6: {  	_ =	swait.ge [sflag:s20], $0x2000  }
0xc7: {  	[sflag:s20] =	ssyncset.done $0x0  }
0xc8: {  	s17 =	rddreg [dreg:$0x10];
	[sflag:s20] =	ssyncadd.s32 $0xFFFFE000  }
0xc9: {  	[hbm4b:s17+s2] =	stream.linear.scatter [tilespmem:s23], [sflag:$0xD], $0x2000, $0x38;
	[tilespmem:$0x16400] =	vst v63  }
0xca: {  	_ =	swait.ge [sflag:s22], $0x2000  }
0xcb: {  	[sflag:s22] =	ssyncset.done $0x0  }
0xcc: {  	s19 =	rddreg [dreg:$0x11];
	[sflag:s22] =	ssyncadd.s32 $0xFFFFE000  }
0xcd: {  	[hbm4b:s19+s2] =	stream.linear.scatter [tilespmem:s25], [sflag:$0xE], $0x2000, $0x38;
	[tilespmem:$0x16400] =	vst v63  }
0xce: {  	_ =	swait.ge [sflag:s24], $0x2000  }
0xcf: {  	[sflag:s24] =	ssyncset.done $0x0  }
0xd0: {  	s21 =	rddreg [dreg:$0x12];
	[sflag:s24] =	ssyncadd.s32 $0xFFFFE000  }
0xd1: {  	[hbm4b:s21+s2] =	stream.linear.scatter [tilespmem:s28], [sflag:$0xF], $0x2000, $0x38;
	[tilespmem:$0x16400] =	vst v63  }
0xd2: {  	_ =	swait.ge [sflag:s26], $0x2000  }
0xd3: {  	[sflag:s26] =	ssyncset.done $0x0  }
0xd4: {  	s23 =	rddreg [dreg:$0x13];
	[sflag:s26] =	ssyncadd.s32 $0xFFFFE000  }
0xd5: {  	[hbm4b:s23+s2] =	stream.linear.scatter [tilespmem:s13], [sflag:$0x10], $0x2000, $0x38;
	[tilespmem:$0x16400] =	vst v63  }
0xd6: {  	_ =	swait.ge [sflag:s29], $0x2000  }
0xd7: {  	[sflag:s29] =	ssyncset.done $0x0  }
0xd8: {  	[sflag:s29] =	ssyncadd.s32 $0xFFFFE000  }
0xd9: {  	_ =	swait.ge [sflag:s4], $0x2000  }
0xda: {  	[sflag:s4] =	ssyncset.done $0x0  }
0xdb: {  	[sflag:s4] =	ssyncadd.s32 $0xFFFFE000  }
0xdc: {  	_ =	swait.ge [sflag:s5], $0x2000  }
0xdd: {  	[sflag:s5] =	ssyncset.done $0x0  }
0xde: {  	[sflag:s5] =	ssyncadd.s32 $0xFFFFE000  }
0xdf: {  	_ =	swait.ge [sflag:s6], $0x2000  }
0xe0: {  	[sflag:s6] =	ssyncset.done $0x0  }
0xe1: {  	[sflag:s6] =	ssyncadd.s32 $0xFFFFE000  }
0xe2: {  	_ =	swait.ge [sflag:s7], $0x2000  }
0xe3: {  	[sflag:s7] =	ssyncset.done $0x0  }
0xe4: {  	[sflag:s7] =	ssyncadd.s32 $0xFFFFE000  }
0xe5: {  	_ =	swait.ge [sflag:s8], $0x2000  }
0xe6: {  	[sflag:s8] =	ssyncset.done $0x0  }
0xe7: {  	[sflag:s8] =	ssyncadd.s32 $0xFFFFE000  }
0xe8: {  	_ =	swait.ge [sflag:s9], $0x2000  }
0xe9: {  	[sflag:s9] =	ssyncset.done $0x0  }
0xea: {  	[sflag:s9] =	ssyncadd.s32 $0xFFFFE000  }
0xeb: {  	_ =	swait.ge [sflag:s10], $0x2000  }
0xec: {  	s25 =	rddreg [dreg:$0x15]  }
0xed: {  	s28 =	rddreg [dreg:$0x14];
	s12 =	sadd.s32 $0x1, s25  }
0xee: {  	p0 =	sne.s32 s12, s28  }
.Ltmp1:
0xef: {  	_ = 	snop;
	(pc) =	sbr.rel @p0 .LBB2_1-.Ltmp1, $3  }
0xf0: {  	_ =	sdelay $0x1  }
0xf1: {  	[sflag:s10] =	ssyncset.done $0x0  }
0xf2: {  	[sflag:s10] =	ssyncadd.s32 $0xFFFFE000  }
0xf3: {  	_ =	sfence.sel $0x180000  }
0xf4: {  	[bflag:$0x0] =	sbarrier.arrive $0xFFFF  }
0xf5: {  	_ =	strace $0x90000047  }
0xf6: {  	s0 =	stileid.u32;
	[bflag:$0x2] =	sbarrier.arrive $0xFFFF  }
0xf7: {  	p0 =	sne.s32 s0, $0x0;
	s0 =	rddreg [dreg:$0x2]  }
0xf8: {  	s0 =	sadd.s32 @!p0 $0x100000, s0  }
0xf9: {  	[sflag:s0] =	ssyncadd.tile.s32 @!p0 $0x1;
	_ =	shalt  }
.Lfunc_end2:
_tile_overlayer_lowered:
.L_overlay_start_2:
0xfa: {  	(tag) =	ssettag $0x2  }
0xfb: {  	s0 =	rddreg [dreg:$0x0];
	s2 =	stileid.u32  }
0xfc: {  	s1 =	rddreg [dreg:$0x1];
	p0 =	sne.s32 s2, $0x0  }
0xfd: {  	s3 =	rddreg [dreg:$0x2];
	[bflag:$0x3] =	sbarrier.arrive $0xFFFF;
	s2 =	simm.s32 @!p0 $0x1C11  }
0xfe: {  	[timem:s3], [sflag:s2] =	dma.local @!p0 [hbm:s0], s1  }
0xff: {  	s0 =	simm.s32 @!p0 $0x11  }
0x100: {  	_ =	swait.ge @!p0 [sflag:s0], s1  }
0x101: {  	s1 =	ssub.s32 @!p0 $0x0, s1;
	[sflag:s0] =	ssyncset.done @!p0 $0x0  }
0x102: {  	[sflag:s0] =	ssyncadd.s32 @!p0 s1  }
0x103: {  	[bflag:$0x3] =	sbarrier.arrive $0xFFFF  }
0x104: {  	_ =	shalt  }

// kernel: sparse-core-data-format-call.cloned.1.call-start
scs
called_computation_lowered:
.L_overlay_start_0:
0x0: {  	s2 =	sld [smem:$0x3FD9]  }
0x1: {  	s3 =	sld [smem:$0x3FFE];
	_ =	sdelay $0x1  }
0x2: {  	s1 =	srdreg.scid  }
0x3: {  	s0 =	sand.u32 $0x1, s1  }
0x4: {  	s18 =	sshll.u32 s0, $0xA;
	s2 =	sadd.s32 s3, s2  }
0x5: {  	s2 =	sadd.s32 s2, s18  }
0x6: {  	[smem:$0x3FC6] =	sst s2  }
0x7: {  	_ = 	snop  }
0x8: {  	s2 =	sld [smem:$0x3FD0];
	(tm) =	ssettm $0x1  }
0x9: {  	s19 =	sld [smem:$0x3FFB];
	_ =	sdelay $0x3  }
0xa: {  	_ =	strace s19  }
0xb: {  	s3 =	sld [smem:$0x3FFC];
	_ =	sdelay $0x3  }
0xc: {  	_ =	strace s3  }
0xd: {  	s3 =	sld [smem:$0x3FFD];
	_ =	sdelay $0x3  }
0xe: {  	_ =	strace s3  }
0xf: {  	_ =	strace $0x8FFFFFFF  }
0x10: {  	s20 =	sld [smem:$0x3FDB];
	_ =	sdelay $0x1  }
0x11: {  	s4 =	simm.s32 $_scs_section_size  }
0x12: {  	s5 =	simm.s32 $_size__tile_overlayer_lowered;
	s6 =	simm.s32 $_tile_overlayer_lowered  }
0x13: {  	s23 =	simm.s32 $0x1BFF;
	s22 =	sshll.u32 s6, $0x1;
	s3 =	sadd.s32 s4, s20  }
0x14: {  	s7 =	simm.s32 $0x0;
	s21 =	sshll.u32 s5, $0x1;
	s5 =	sadd.s32 s22, s3  }
0x15: {  	[timem:s7], [sflag:s23] =	dma.local [hbm:s5], s21  }
0x16: {  	_ =	swait.ge [sflag:s23], s21  }
0x17: {  	s4 =	ssub.s32 $0x0, s21;
	[sflag:s23] =	ssyncset.done $0x0  }
0x18: {  	[sflag:s23] =	ssyncadd.s32 s4;
	_ =	sdelay $0x1  }
0x19: {  	s24 =	simm.s32 $0x1B8B  }
0x1a: {  	_ =	swait.ge [sflag:s24], $0x1  }
0x1b: {  	[sflag:s24] =	ssyncset.done $0x0  }
0x1c: {  	s26 =	simm.s32 $0x1B8E;
	s25 =	sld [smem:$0x3FFE];
	[sflag:s24] =	ssyncadd.s32 $0xFFFFFFFF  }
0x1d: {  	s27 =	simm.s32 $execute0_lowered;
	[smem:$0x3FD2] =	sst s26  }
0x1e: {  	s5 =	sshll.u32 s27, $0x1;
	_ =	strace $0x80000049;
	[dreg:$0x1] =	wrdreg $0xFFFFFFFF  }
0x1f: {  	s28 =	simm.s32 $_size_execute0_lowered;
	s3 =	sadd.s32 s3, s5;
	[dreg:$0x0] =	wrdreg $0x0  }
0x20: {  	s5 =	sshll.u32 s28, $0x1;
	[dreg:$0x2] =	wrdreg s3  }
0x21: {  	[dreg:$0x3] =	wrdreg s5  }
0x22: {  	[dreg:$0x4] =	wrdreg $0xC0  }
0x23: {  	_ =	task [dreg:s7], $0x5FFFF  }
0x24: {  	[dreg:$0x1] =	wrdreg $0xFFFFFFFF  }
0x25: {  	[dreg:$0x0] =	wrdreg $0x60  }
0x26: {  	[dreg:$0x2] =	wrdreg s25  }
0x27: {  	[dreg:$0x3] =	wrdreg s2  }
0x28: {  	[dreg:$0x4] =	wrdreg $0x9  }
0x29: {  	_ =	task.clear_ibuf [dreg:s7], $0x5FFFF;
	_ =	strace $0x90000049  }
0x2a: {  	s29 =	simm.s32 $0x9;
	_ =	strace $0x8000004B  }
0x2b: {  	_ =	swait.ge [sflag:s29], $0x1  }
0x2c: {  	[sflag:s29] =	ssyncadd.s32 $0xFFFFFFFF  }
0x2d: {  	_ =	strace $0x9000004B  }
0x2e: {  	_ =	sfence  }
0x2f: {  	s30 =	sld [smem:$0x0];
	_ =	sdelay $0x2  }
0x30: {  	s31 =	sshll.u32 s1, $0xD;
	s1 =	sshrl.u32 s1, $0x2  }
0x31: {  	s3 =	sand.u32 $0x4000, s31;
	s1 =	sadd.s32 s1, s30  }
0x32: {  	s0 =	sor.u32 s3, s0;
	s1 =	sshll.u32 s1, $0x11  }
0x33: {  	s0 =	sor.u32 s1, s0  }
0x34: {  	s0 =	sadd.s32 $0x8F2B, s0  }
0x35: {  	[sflag:s0] =	ssyncadd.remote.s32 $0x1  }
0x36: {  	_ =	sfence.sel $0xFFFF  }
0x37: {  	[dreg:$0x0] =	wrdreg $0xFFFFFFFF;
	(pc) =	sbr.abs _section_cstart, $3  }
0x38: {  	[dreg:$0x1] =	wrdreg $0xFFFFFFFF  }
0x39: {  	_ =	task.clear_ibuf [dreg:s7], $0x2FFFF;
	_ =	strace $0x9FFFFFFF  }
0x3a: {  	(tm) =	ssettm $0x7FFFFFFF  }
0x3b: {  	_ =	shalt  }
tec
execute0_lowered:
.L_overlay_start_1:
0x0: {  	(tag) =	ssettag $0x1  }
0x1: {  	s0 =	srdreg.scid  }
0x2: {  	s1 =	sshll.u32 s0, $0x4  }
0x3: {  	s0 =	stileid.u32;
	s1 =	sand.u32 $0x10, s1  }
0x4: {  	s1 =	sor.u32 s0, s1  }
0x5: {  	s6 =	rddreg [dreg:$0x0];
	s4 =	simm.s32 $0x1;
	s2 =	sshll.u32 s1, $0x7  }
0x6: {  	s7 =	simm.s32 $0x2;
	s12 =	simm.s32 $0x0;
	s1 =	ssub.s32 $0x1000, s2  }
0x7: {  	s8 =	simm.s32 $0x8000;
	s13 =	simm.s32 $0x0;
	s3 =	sand.u32 $0xF80, s1  }
0x8: {  	s9 =	simm.s32 $0x0;
	s5 =	sshrl.u32 s1, $0xC;
	p0 =	sne.s32 s3, $0x0  }
.Ltmp0:
0x9: {  	s1 =	rddreg [dreg:$0x2];
	s4 =	simm.s32 @!p0 $0x0;
	(pc) =	sbr.rel .LBB1_1-.Ltmp0, $4  }
0xa: {  	s11 =	simm.s32 $0x0;
	s3 =	rddreg [dreg:$0x1];
	s5 =	sadd.s32 s4, s5  }
0xb: {  	_ =	strace $0x8000004A;
	s4 =	simm.s32 $0x1;
	s5 =	smul.u32 $0xC8, s5  }
0xc: {  	s6 =	sadd.s32 $0xA00, s6;
	s10 =	smov.u32 s2;
	[sflag:s4] =	ssyncpa.u1 $0x0  }
0xd: {  	p0 =	por $0x0, $0x0;
	[sflag:s7] =	ssyncpa.u1 $0x0;
	s7 =	sor.u32 $0x1, s5  }
.LBB1_4:
0xe: {  	s16 =	sshll.u32 s13, $0x3;
	s17 =	sand.u32 $0x78, s13  }
0xf: {  	s30 =	sand.u32 $0x7E00, s13;
	s12 =	sshll.u32 s12, $0xF;
	s16 =	sand.u32 $0xC00, s16  }
0x10: {  	[tilespmem:s15+$0x810 ss:$0x81] =	vst.msk $0xffff, v2;
	s31 =	sand.u32 $0x7, s13;
	s16 =	sor.u32 s17, s16;
	s17 =	sadd.s32 s3, s30  }
0x11: {  	[tilespmem:s15+$0x1020 ss:$0x81] =	vst.msk $0xffff, v0;
	s13 =	sshll.u32 s31, $0x12;
	s12 =	sadd.s32 s12, s17;
	s16 =	sshrl.u32 s16, $0x3  }
0x12: {  	[tilespmem:s15+$0x0 ss:$0x81] =	vst.msk $0xffff, v1;
	s13 =	sor.u32 $0x400, s13;
	s12 =	sadd.s32 s16, s12  }
0x13: {  	[hbm4b:s12+s13] =	stream.strided.scatter [tilespmem:s14], [sflag:$0x2], $0x2000, s8, s13, $0x20;
	[tilespmem:$0x8080] =	vst v63  }
.LBB1_5:
0x14: {  	s14 =	sadd.s32 $0x1, s9  }
0x15: {  	s12 =	sadd.s32 $0x1000, s10;
	s16 =	smov.u32 s10;
	p2 =	sgt.s32 s14, $0xC7  }
0x16: {  	s16 =	smov.u32 @p2 s12  }
0x17: {  	s14 =	simm.s32 @p2 $0x0;
	p2 =	sgt.s32 s16, $0xFFF  }
0x18: {  	s16 =	smov.u32 @p2 s2;
	p2 =	sne.s32 s11, s7  }
.Ltmp1:
0x19: {  	p1 =	slt.u32 s11, $0x2;
	(pc) =	sbr.rel @!p2 .LBB1_6-.Ltmp1, $4  }
0x1a: {  	s15 =	simm.s32 @!p1 $0x2  }
0x1b: {  	s13 =	smov.u32 s10;
	p0 =	por !p0, !p0;
	_ =	swait.ge @!p1 [sflag:s15], $0x2000  }
0x1c: {  	s12 =	smov.u32 s9;
	[sflag:s15] =	ssyncset.done @!p1 $0x0;
	s9 =	smov.u32 s14  }
0x1d: {  	s11 =	sadd.s32 $0x1, s11;
	[sflag:s15] =	ssyncadd.s32 @!p1 $0xFFFFE000;
	s10 =	smov.u32 s16  }
.LBB1_1:
0x1e: {  	p1 =	sge.u32 s11, s5  }
0x1f: {  	s14 =	sand.u32 @!p1 $0x1FFFFFF, s9  }
0x20: {  	s15 =	smulhi.u32 @!p1 $0x147AE15, s14;
	_ =	sdelay $0x1  }
0x21: {  	s15 =	smul.u32 @!p1 $0xC8, s15  }
0x22: {  	s16 =	sxor.u32 @!p1 $0xFFFFFFFF, s11;
	s17 =	smul.u32 @!p1 $0xC80, s10  }
0x23: {  	s31 =	sadd.s32 $0xFFFFFFFF, s11;
	s16 =	sshll.u32 @!p1 s16, $0xD;
	s14 =	ssub.s32 @!p1 s14, s15  }
0x24: {  	s15 =	sand.u32 @!p1 $0x2000, s16;
	s16 =	sadd.s32 @!p1 s6, s17;
	s14 =	sshll.u32 @!p1 s14, $0x4  }
0x25: {  	s17 =	simm.s32 @!p1 $0x6400;
	s14 =	sadd.s32 @!p1 s14, s16;
	s16 =	simm.s32 @!p1 $0x40  }
0x26: {  	[tilespmem:s15], [sflag:$0x1] =	stream.strided.gather @!p1 [hbm4b:s14+s16], $0x2000, s17, s16, $0x38;
	[tilespmem:$0x8080] =	vst v63  }
0x27: {  	p1 =	sge.u32 s31, s5  }
.Ltmp2:
0x28: {  	_ = 	snop;
	(pc) =	sbr.rel @p1 .LBB1_5-.Ltmp2, $1  }
0x29: {  	_ =	sdelay $0x3  }
0x2a: {  	s14 =	simm.s32 $0x1  }
0x2b: {  	_ =	swait.ge [sflag:s4], $0x2000;
	s14 =	simm.s32 @!p0 $0x0  }
0x2c: {  	[sflag:s4] =	ssyncset.done $0x0;
	s15 =	sshll.u32 s14, $0xD  }
0x2d: {  	[sflag:s4] =	ssyncadd.s32 $0xFFFFE000;
	s18 =	sor.u32 $0x20, s15  }
0x2e: {  	s14 =	smul.u32 $0x8100, s14;
	v3 =	vld [tilespmem:s18+$0x10]  }
0x2f: {  	s30 =	sand.u32 $0x1, s11;
	v2 =	vld [tilespmem:s18+$0xFFFFFFF0]  }
0x30: {  	s15 =	smul.u32 $0x8100, s30;
	s14 =	sshrl.u32 s14, $0x2;
	v0 =	vld [tilespmem:s18+$0x0]  }
0x31: {  	v1 =	vld [tilespmem:s18+$0xFFFFFFE0];
	s16 =	sor.u32 $0x4000, s14  }
0x32: {  	s31 =	sshrl.u32 s15, $0x2;
	s15 =	sadd.s32 $0x0, s16  }
0x33: {  	s17 =	simm.s32 $0x4;
	s18 =	sadd.s32 $0x40, s18;
	s14 =	sor.u32 $0x4000, s31;
	[tilespmem:s15+$0x1830 ss:$0x81] =	vst.msk $0xffff, v3  }
.LBB1_3:
0x34: {  	v3 =	vld [tilespmem:s18+$0x10];
	p1 =	sne.s32 s17, $0x1FC;
	[tilespmem:s15+$0x810 ss:$0x81] =	vst.msk $0xffff, v2;
	s19 =	smov.u32 s17;
	s17 =	sadd.s32 $0x4, s17  }
.Ltmp3:
0x35: {  	v2 =	vld [tilespmem:s18+$0xFFFFFFF0];
	[tilespmem:s15+$0x1020 ss:$0x81] =	vst.msk $0xffff, v0;
	(pc) =	sbr.rel @p1 .LBB1_3-.Ltmp3, $4  }
0x36: {  	v0 =	vld [tilespmem:s18+$0x0];
	[tilespmem:s15+$0x0 ss:$0x81] =	vst.msk $0xffff, v1  }
0x37: {  	s15 =	sshra.s32 s19, $0x2;
	v1 =	vld [tilespmem:s18+$0xFFFFFFE0]  }
0x38: {  	s15 =	sadd.s32 s15, s16  }
0x39: {  	s18 =	sadd.s32 $0x40, s18;
	[tilespmem:s15+$0x1830 ss:$0x81] =	vst.msk $0xffff, v3  }
.Ltmp4:
0x3a: {  	_ = 	snop;
	(pc) =	sbr.rel .LBB1_4-.Ltmp4, $1  }
0x3b: {  	_ =	sdelay $0x3  }
.LBB1_6:
0x3c: {  	_ =	sfence.sel $0x180000  }
0x3d: {  	s2 =	simm.s32 $0x1;
	[bflag:$0x0] =	sbarrier.arrive $0xFFFF  }
0x3e: {  	s31 =	simm.s32 $0x2;
	[sflag:s2] =	ssyncpa.u1 $0x1  }
0x3f: {  	[sflag:s31] =	ssyncpa.u1 $0x1  }
0x40: {  	p0 =	sne.s32 s0, $0x0;
	_ =	strace $0x9000004A  }
0x41: {  	s0 =	sadd.s32 @!p0 $0x100000, s1;
	[bflag:$0x2] =	sbarrier.arrive $0xFFFF  }
0x42: {  	[sflag:s0] =	ssyncadd.tile.s32 @!p0 $0x1;
	_ =	shalt  }
.Lfunc_end1:
_tile_overlayer_lowered:
.L_overlay_start_2:
0x43: {  	(tag) =	ssettag $0x2  }
0x44: {  	s0 =	rddreg [dreg:$0x0];
	s2 =	stileid.u32  }
0x45: {  	s1 =	rddreg [dreg:$0x1];
	p0 =	sne.s32 s2, $0x0  }
0x46: {  	s3 =	rddreg [dreg:$0x2];
	[bflag:$0x3] =	sbarrier.arrive $0xFFFF;
	s2 =	simm.s32 @!p0 $0x1C01  }
0x47: {  	[timem:s3], [sflag:s2] =	dma.local @!p0 [hbm:s0], s1  }
0x48: {  	s0 =	simm.s32 @!p0 $0x1  }
0x49: {  	_ =	swait.ge @!p0 [sflag:s0], s1  }
0x4a: {  	s1 =	ssub.s32 @!p0 $0x0, s1;
	[sflag:s0] =	ssyncset.done @!p0 $0x0  }
0x4b: {  	[sflag:s0] =	ssyncadd.s32 @!p0 s1  }
0x4c: {  	[bflag:$0x3] =	sbarrier.arrive $0xFFFF  }
0x4d: {  	_ =	shalt  }

</sc_bundles>
